<compile_context>
chip_gen: v7x
topology: tpu7x:2x2x1
jax: 0.10.2.dev20260603
libtpu: 0.0.44.dev20260713+nightly
codegen_flags: <defaults>
</compile_context>

<pallas_src>
import jax
import jax.numpy as jnp
from jax import lax
from jax.experimental import pallas as pl
from jax.experimental.pallas import tpu as pltpu

N = 512
E = 16384
H = 4
FH = 32
EMB = 128
HID = 128
CLIP = 10.0


def _dot(a, b):
    return lax.dot_general(a, b, (((1,), (0,)), ((), ())),
                           preferred_element_type=jnp.float32)


def _dot_t(a, b):
    return lax.dot_general(a, b, (((1,), (1,)), ((), ())),
                           preferred_element_type=jnp.float32)


def _dot_tl(a, b):
    return lax.dot_general(a, b, (((0,), (1,)), ((), ())),
                           preferred_element_type=jnp.float32)


def _sig(x):
    return jax.nn.sigmoid(x)


def _body(emb_ref, weih_ref, wehh_ref, be_ref, wdih_ref, wdhh_ref, bd_ref,
          wattn_ref, battn_ref, vcol_ref, dinit_ref,
          lps_ref, maps_ref,
          xencp_ref, embp_ref, enc_ref, cc2_ref):
    lane_n = lax.broadcasted_iota(jnp.int32, (1, N), 1)
    emb = emb_ref[...]

    xencp_ref[...] = _dot_t(emb, weih_ref[...])

    def enc_body(t, carry):
        hh, cc = carry
        z = (xencp_ref[pl.ds(t, 1), :] + _dot_t(hh, wehh_ref[...])) + be_ref[...]
        i_g = z[:, 0:HID]
        f_g = z[:, HID:2 * HID]
        g_g = z[:, 2 * HID:3 * HID]
        o_g = z[:, 3 * HID:4 * HID]
        cc = _sig(f_g) * cc + _sig(i_g) * jnp.tanh(g_g)
        hh = _sig(o_g) * jnp.tanh(cc)
        enc_ref[pl.ds(t, 1), :] = hh
        return hh, cc

    h0 = jnp.zeros((1, HID), jnp.float32)
    hT, cT = lax.fori_loop(0, N, enc_body, (h0, h0))

    embp_ref[...] = emb
    cc2_ref[:, HID:2 * HID] = enc_ref[...]
    dinp0 = _dot_t(dinit_ref[...], wdih_ref[...])
    subl_n = lax.broadcasted_iota(jnp.int32, (N, 1), 0)

    def dec_body(t, carry):
        hh, cc, dinp, mask, lps, maps = carry
        z = (dinp + _dot_t(hh, wdhh_ref[...])) + bd_ref[...]
        i_g = z[:, 0:HID]
        f_g = z[:, HID:2 * HID]
        g_g = z[:, 2 * HID:3 * HID]
        o_g = z[:, 3 * HID:4 * HID]
        cc = _sig(f_g) * cc + _sig(i_g) * jnp.tanh(g_g)
        hh = _sig(o_g) * jnp.tanh(cc)
        cc2_ref[:, 0:HID] = jnp.broadcast_to(hh, (N, HID))
        energy = jnp.tanh(_dot(cc2_ref[...], wattn_ref[...]) + battn_ref[...])
        att = _dot(energy, vcol_ref[...])
        att = CLIP * jnp.tanh(att)
        att = jnp.where(mask == 0.0, -1e9, att)
        m = jnp.max(att)
        lse = m + jnp.log(jnp.sum(jnp.exp(att - m)))
        lp = att - lse
        score = lp + lps[0, 0]
        ms = jnp.max(score)
        sel = jnp.min(jnp.where(score == ms, subl_n, N))
        lp_sel = jnp.sum(jnp.where(subl_n == sel, lp, 0.0))
        lps = lps + lp_sel
        mask = jnp.where(subl_n == sel, 0.0, mask)
        maps = jnp.where(lane_n == t, sel, maps)
        dinp = _dot_t(embp_ref[pl.ds(sel, 1), :], wdih_ref[...])
        return hh, cc, dinp, mask, lps, maps

    mask0 = jnp.ones((N, 1), jnp.float32)
    lps0 = jnp.zeros((1, 1), jnp.float32)
    maps0 = jnp.zeros((1, N), jnp.int32)
    _, _, _, _, lps, maps = lax.fori_loop(
        0, N, dec_body, (hT, cT, dinp0, mask0, lps0, maps0))
    lps_ref[...] = lps
    maps_ref[...] = maps


def kernel(x, edge_index, batch, W_gat, a_src, a_dst, b_gat, We_ih, We_hh, be,
           Wd_ih, Wd_hh, bd, W_attn, b_attn, v_w, dec_init):
    del batch
    n = x.shape[0]
    proj = (x @ W_gat).reshape(n, H, FH)
    src = edge_index[0]
    dst = edge_index[1]
    alpha_src = (proj * a_src[None, :, :]).sum(-1)
    alpha_dst = (proj * a_dst[None, :, :]).sum(-1)
    e = jax.nn.leaky_relu(alpha_src[src] + alpha_dst[dst], negative_slope=0.2)
    e_max = jax.ops.segment_max(e, dst, num_segments=n)
    e_max = jnp.where(jnp.isfinite(e_max), e_max, 0.0)
    e_exp = jnp.exp(e - e_max[dst])
    denom = jax.ops.segment_sum(e_exp, dst, num_segments=n)
    att = e_exp / (denom[dst] + 1e-16)
    out = jax.ops.segment_sum(proj[src] * att[:, :, None], dst, num_segments=n)
    out = out.reshape(n, H * FH) + b_gat
    emb = jax.nn.elu(out)

    lps, maps = pl.pallas_call(
        _body,
        out_shape=(
            jax.ShapeDtypeStruct((1, 1), jnp.float32),
            jax.ShapeDtypeStruct((1, N), jnp.int32),
        ),
        scratch_shapes=[
            pltpu.VMEM((N, 4 * HID), jnp.float32),
            pltpu.VMEM((N, HID), jnp.float32),
            pltpu.VMEM((N, HID), jnp.float32),
            pltpu.VMEM((N, 2 * HID), jnp.float32),
        ],
    )(emb, We_ih, We_hh, be.reshape(1, 4 * HID), Wd_ih, Wd_hh,
      bd.reshape(1, 4 * HID), W_attn,
      b_attn.reshape(1, HID), v_w.reshape(HID, 1), dec_init)
    return lps.reshape(1), maps

# --- scband reference (transcript-rebuilt; emitter-appended) ---
"""Pipeline reference for scband-pointer-net-77309411328478 (READ-ONLY COPY).

The authoritative reference and input builder live on the scoring server;
editing this copy changes nothing except your own understanding.
"""

import jax, jax.numpy as jnp
import numpy as np

N = 512
E_EDGES = 16384
F_IN = 128
H_HEADS = 4
F_HEAD = 32
EMB = 128
HID = 128
CLIP = 10.0


def _lstm_step(x, h, c, W_ih, W_hh, b):
    z = x @ W_ih.T + h @ W_hh.T + b
    i, f, g, o = jnp.split(z, 4, axis=-1)
    c_new = jax.nn.sigmoid(f) * c + jax.nn.sigmoid(i) * jnp.tanh(g)
    h_new = jax.nn.sigmoid(o) * jnp.tanh(c_new)
    return h_new, c_new


def _gat_layer(x, edge_index, W, a_src, a_dst, b):
    n = x.shape[0]
    proj = (x @ W).reshape(n, H_HEADS, F_HEAD)
    src = edge_index[0]
    dst = edge_index[1]
    alpha_src = (proj * a_src[None, :, :]).sum(-1)
    alpha_dst = (proj * a_dst[None, :, :]).sum(-1)
    e = jax.nn.leaky_relu(alpha_src[src] + alpha_dst[dst], negative_slope=0.2)
    e_max = jax.ops.segment_max(e, dst, num_segments=n)
    e_max = jnp.where(jnp.isfinite(e_max), e_max, 0.0)
    e_exp = jnp.exp(e - e_max[dst])
    denom = jax.ops.segment_sum(e_exp, dst, num_segments=n)
    att = e_exp / (denom[dst] + 1e-16)
    out = jax.ops.segment_sum(proj[src] * att[:, :, None], dst, num_segments=n)
    out = out.reshape(n, H_HEADS * F_HEAD) + b
    return jax.nn.elu(out)


def _forward(x, edge_index, W_gat, a_src, a_dst, b_gat, We_ih, We_hh, be,
             Wd_ih, Wd_hh, bd, W_attn, b_attn, v_w, dec_init):
    # GAT node embeddings (gather/scatter message passing)
    emb = _gat_layer(x, edge_index, W_gat, a_src, a_dst, b_gat)
    B = 1
    T = emb.shape[0]
    seq = emb.reshape(T, B, EMB)  # [T, B, E], single graph (batch all zeros)
    # Encoder LSTM (mask is all ones so pack/pad is identity)
    h0 = jnp.zeros((B, HID), dtype=x.dtype)
    c0 = jnp.zeros((B, HID), dtype=x.dtype)
    def enc_step(carry, xt):
        h, c = carry
        h, c = _lstm_step(xt, h, c, We_ih, We_hh, be)
        return (h, c), h
    (hT, cT), enc_outs = jax.lax.scan(enc_step, (h0, c0), seq)
    enc_bt = enc_outs.transpose(1, 0, 2)  # [B, T, H]
    emb_bt = seq.transpose(1, 0, 2)       # [B, T, E]
    mask0 = jnp.ones((B, T), dtype=x.dtype)
    din0 = jnp.broadcast_to(dec_init, (B, EMB))
    lps0 = jnp.zeros((B,), dtype=x.dtype)
    # Greedy pointer decode (num_samples=1, decoding_type='greedy')
    def dec_step(carry, _):
        h, c, din, mk, lps = carry
        h, c = _lstm_step(din, h, c, Wd_ih, Wd_hh, bd)
        dec_rep = jnp.broadcast_to(h[:, None, :], (B, T, HID))
        energy = jnp.tanh(jnp.concatenate([dec_rep, enc_bt], axis=2) @ W_attn + b_attn)
        att = energy @ v_w  # [B, T]
        att = CLIP * jnp.tanh(att)
        att = jnp.where(mk == 0, -1e9, att)
        lp = jax.nn.log_softmax(att, axis=1)
        sel = jnp.argmax(lp + lps[:, None], axis=1)
        lps = lps + jnp.take_along_axis(lp, sel[:, None], axis=1)[:, 0]
        mk = mk.at[jnp.arange(B), sel].set(0.0)
        din = emb_bt[jnp.arange(B), sel]
        return (h, c, din, mk, lps), sel
    (hF, cF, dinF, mkF, lps), mappings = jax.lax.scan(
        dec_step, (hT, cT, din0, mask0, lps0), None, length=T)
    predicted_mappings = mappings.T  # [B, T]
    return lps, predicted_mappings


def setup_inputs(seed: int = 0):
    key = jax.random.key(seed)
    ks = jax.random.split(key, 16)
    s = 0.1
    inp = {}
    inp["x"] = jax.random.normal(ks[0], (N, F_IN), dtype=jnp.float32)
    inp["edge_index"] = jax.random.randint(ks[1], (2, E_EDGES), 0, N, dtype=jnp.int32)
    inp["batch"] = jnp.zeros((N,), dtype=jnp.int32)
    inp["W_gat"] = jax.random.normal(ks[2], (F_IN, H_HEADS * F_HEAD), dtype=jnp.float32) * s
    inp["a_src"] = jax.random.normal(ks[3], (H_HEADS, F_HEAD), dtype=jnp.float32) * s
    inp["a_dst"] = jax.random.normal(ks[4], (H_HEADS, F_HEAD), dtype=jnp.float32) * s
    inp["b_gat"] = jnp.zeros((H_HEADS * F_HEAD,), dtype=jnp.float32)
    inp["We_ih"] = jax.random.normal(ks[5], (4 * HID, EMB), dtype=jnp.float32) * s
    inp["We_hh"] = jax.random.normal(ks[6], (4 * HID, HID), dtype=jnp.float32) * s
    inp["be"] = jnp.zeros((4 * HID,), dtype=jnp.float32)
    inp["Wd_ih"] = jax.random.normal(ks[7], (4 * HID, EMB), dtype=jnp.float32) * s
    inp["Wd_hh"] = jax.random.normal(ks[8], (4 * HID, HID), dtype=jnp.float32) * s
    inp["bd"] = jnp.zeros((4 * HID,), dtype=jnp.float32)
    inp["W_attn"] = jax.random.normal(ks[9], (2 * HID, HID), dtype=jnp.float32) * s
    inp["b_attn"] = jnp.zeros((HID,), dtype=jnp.float32)
    inp["v_w"] = jax.random.normal(ks[10], (HID,), dtype=jnp.float32) * s
    inp["dec_init"] = jnp.zeros((1, EMB), dtype=jnp.float32)
    return inp


def reference(x, edge_index, batch, W_gat, a_src, a_dst, b_gat, We_ih, We_hh, be,
              Wd_ih, Wd_hh, bd, W_attn, b_attn, v_w, dec_init):
    # batch is all zeros (single graph) -> to_dense_batch is a reshape
    return _forward(x, edge_index, W_gat, a_src, a_dst, b_gat, We_ih, We_hh, be,
                    Wd_ih, Wd_hh, bd, W_attn, b_attn, v_w, dec_init)

if __name__ == "__main__":
    import jax
    _d = setup_inputs()
    print(jax.jit(kernel)(*tuple(_d.values())))

</pallas_src>

<mosaic_0001>
module attributes {stable_mosaic.version = 14 : i64} {
  func.func @_body(%arg0: memref<512x128xf32, #tpu.memory_space<vmem>>, %arg1: memref<512x128xf32, #tpu.memory_space<vmem>>, %arg2: memref<512x128xf32, #tpu.memory_space<vmem>>, %arg3: memref<1x512xf32, #tpu.memory_space<vmem>>, %arg4: memref<512x128xf32, #tpu.memory_space<vmem>>, %arg5: memref<512x128xf32, #tpu.memory_space<vmem>>, %arg6: memref<1x512xf32, #tpu.memory_space<vmem>>, %arg7: memref<256x128xf32, #tpu.memory_space<vmem>>, %arg8: memref<1x128xf32, #tpu.memory_space<vmem>>, %arg9: memref<128x1xf32, #tpu.memory_space<vmem>>, %arg10: memref<1x128xf32, #tpu.memory_space<vmem>>, %arg11: memref<1x1xf32, #tpu.memory_space<vmem>>, %arg12: memref<1x512xi32, #tpu.memory_space<vmem>>, %arg13: memref<512x512xf32, #tpu.memory_space<vmem>>, %arg14: memref<512x128xf32, #tpu.memory_space<vmem>>, %arg15: memref<512x128xf32, #tpu.memory_space<vmem>>, %arg16: memref<512x256xf32, #tpu.memory_space<vmem>>) attributes {dimension_semantics = [], scalar_prefetch = 0 : i64, scratch_operands = 4 : i64, tpu.core_type = #tpu.core_type<tc>} {
    %iota3A = tpu.iota {dimensions = array<i32: 1>} : vector<1x512xi32>
    %get3A = arith.constant 0 : index
    %get3A_0 = arith.constant 0 : index
    %get3A_1 = vector.load %arg0[%get3A, %get3A_0] : memref<512x128xf32, #tpu.memory_space<vmem>>, vector<512x128xf32>
    %get3A_2 = arith.constant 0 : index
    %get3A_3 = arith.constant 0 : index
    %get3A_4 = vector.load %arg1[%get3A_2, %get3A_3] : memref<512x128xf32, #tpu.memory_space<vmem>>, vector<512x128xf32>
    %dot_general3A = arith.constant dense<0.000000e+00> : vector<512x512xf32>
    %dot_general3A_5 = tpu.matmul %get3A_1, %get3A_4, %dot_general3A {dimension_numbers = #tpu.dot_dimension_numbers<[1], [1], [0], [0], [0, 0, 1, 0], [], []>, transpose_lhs_hint = false} : vector<512x128xf32>, vector<512x128xf32>, vector<512x512xf32> -> vector<512x512xf32>
    %swap3A = arith.constant 0 : index
    %swap3A_6 = arith.constant 0 : index
    %swap3A_7 = vector.load %arg13[%swap3A, %swap3A_6] : memref<512x512xf32, #tpu.memory_space<vmem>>, vector<512x512xf32>
    tpu.vector_store %arg13[%swap3A, %swap3A_6], %dot_general3A_5 {strides = array<i32>} : memref<512x512xf32, #tpu.memory_space<vmem>>, vector<512x512xf32>,
    %broadcast_in_dim3A = arith.constant 0.000000e+00 : f32
    %broadcast_in_dim3A_8 = vector.broadcast %broadcast_in_dim3A : f32 to vector<1x128xf32>
    %scan3A = arith.constant 0 : i32
    %scan3A_9 = arith.constant 512 : i32
    %scan3A_10 = arith.addi %scan3A, %scan3A_9 : i32
    %scan3A_11 = arith.constant 1 : i32
    %scan3A_12:2 = scf.for %scan3A_50 = %scan3A to %scan3A_10 step %scan3A_11 iter_args(%scan3A_51 = %broadcast_in_dim3A_8, %scan3A_52 = %broadcast_in_dim3A_8) -> (vector<1x128xf32>, vector<1x128xf32>)  : i32 {
      %get3A_53 = arith.index_cast %scan3A_50 : i32 to index
      %get3A_54 = arith.constant 0 : index
      %get3A_55 = vector.load %arg13[%get3A_53, %get3A_54] : memref<512x512xf32, #tpu.memory_space<vmem>>, vector<1x512xf32>
      %get3A_56 = arith.constant 0 : index
      %get3A_57 = arith.constant 0 : index
      %get3A_58 = vector.load %arg2[%get3A_56, %get3A_57] : memref<512x128xf32, #tpu.memory_space<vmem>>, vector<512x128xf32>
      %dot_general3A_59 = arith.constant dense<0.000000e+00> : vector<1x512xf32>
      %dot_general3A_60 = tpu.matmul %scan3A_51, %get3A_58, %dot_general3A_59 {dimension_numbers = #tpu.dot_dimension_numbers<[1], [1], [0], [0], [0, 0, 1, 0], [], []>, transpose_lhs_hint = false} : vector<1x128xf32>, vector<512x128xf32>, vector<1x512xf32> -> vector<1x512xf32>
      %add3A = arith.addf %get3A_55, %dot_general3A_60 : vector<1x512xf32>
      %get3A_61 = arith.constant 0 : index
      %get3A_62 = arith.constant 0 : index
      %get3A_63 = vector.load %arg3[%get3A_61, %get3A_62] : memref<1x512xf32, #tpu.memory_space<vmem>>, vector<1x512xf32>
      %add3A_64 = arith.addf %add3A, %get3A_63 : vector<1x512xf32>
      %slice3A = vector.extract_strided_slice %add3A_64 {offsets = [0, 0], sizes = [1, 128], strides = [1, 1]} : vector<1x512xf32> to vector<1x128xf32>
      %slice3A_65 = vector.extract_strided_slice %add3A_64 {offsets = [0, 128], sizes = [1, 128], strides = [1, 1]} : vector<1x512xf32> to vector<1x128xf32>
      %slice3A_66 = vector.extract_strided_slice %add3A_64 {offsets = [0, 256], sizes = [1, 128], strides = [1, 1]} : vector<1x512xf32> to vector<1x128xf32>
      %slice3A_67 = vector.extract_strided_slice %add3A_64 {offsets = [0, 384], sizes = [1, 128], strides = [1, 1]} : vector<1x512xf32> to vector<1x128xf32>
      %logistic3A = arith.negf %slice3A_65 : vector<1x128xf32>
      %logistic3A_68 = math.exp %logistic3A : vector<1x128xf32>
      %logistic3A_69 = arith.constant 1.000000e+00 : f32
      %logistic3A_70 = vector.broadcast %logistic3A_69 : f32 to vector<1x128xf32>
      %logistic3A_71 = arith.addf %logistic3A_70, %logistic3A_68 : vector<1x128xf32>
      %logistic3A_72 = arith.divf %logistic3A_70, %logistic3A_71 : vector<1x128xf32>
      %mul3A = arith.mulf %logistic3A_72, %scan3A_52 : vector<1x128xf32>
      %logistic3A_73 = arith.negf %slice3A : vector<1x128xf32>
      %logistic3A_74 = math.exp %logistic3A_73 : vector<1x128xf32>
      %logistic3A_75 = arith.constant 1.000000e+00 : f32
      %logistic3A_76 = vector.broadcast %logistic3A_75 : f32 to vector<1x128xf32>
      %logistic3A_77 = arith.addf %logistic3A_76, %logistic3A_74 : vector<1x128xf32>
      %logistic3A_78 = arith.divf %logistic3A_76, %logistic3A_77 : vector<1x128xf32>
      %tanh3A = math.tanh %slice3A_66 : vector<1x128xf32>
      %mul3A_79 = arith.mulf %logistic3A_78, %tanh3A : vector<1x128xf32>
      %add3A_80 = arith.addf %mul3A, %mul3A_79 : vector<1x128xf32>
      %logistic3A_81 = arith.negf %slice3A_67 : vector<1x128xf32>
      %logistic3A_82 = math.exp %logistic3A_81 : vector<1x128xf32>
      %logistic3A_83 = arith.constant 1.000000e+00 : f32
      %logistic3A_84 = vector.broadcast %logistic3A_83 : f32 to vector<1x128xf32>
      %logistic3A_85 = arith.addf %logistic3A_84, %logistic3A_82 : vector<1x128xf32>
      %logistic3A_86 = arith.divf %logistic3A_84, %logistic3A_85 : vector<1x128xf32>
      %tanh3A_87 = math.tanh %add3A_80 : vector<1x128xf32>
      %mul3A_88 = arith.mulf %logistic3A_86, %tanh3A_87 : vector<1x128xf32>
      %swap3A_89 = arith.index_cast %scan3A_50 : i32 to index
      %swap3A_90 = arith.constant 0 : index
      %swap3A_91 = vector.load %arg15[%swap3A_89, %swap3A_90] : memref<512x128xf32, #tpu.memory_space<vmem>>, vector<1x128xf32>
      tpu.vector_store %arg15[%swap3A_89, %swap3A_90], %mul3A_88 {strides = array<i32>} : memref<512x128xf32, #tpu.memory_space<vmem>>, vector<1x128xf32>,
      scf.yield %mul3A_88, %add3A_80 : vector<1x128xf32>, vector<1x128xf32>
    }
    %scan3A_13 = arith.constant 512 : i32
    %swap3A_14 = arith.constant 0 : index
    %swap3A_15 = arith.constant 0 : index
    %swap3A_16 = vector.load %arg14[%swap3A_14, %swap3A_15] : memref<512x128xf32, #tpu.memory_space<vmem>>, vector<512x128xf32>
    tpu.vector_store %arg14[%swap3A_14, %swap3A_15], %get3A_1 {strides = array<i32>} : memref<512x128xf32, #tpu.memory_space<vmem>>, vector<512x128xf32>,
    %get3A_17 = arith.constant 0 : index
    %get3A_18 = arith.constant 0 : index
    %get3A_19 = vector.load %arg15[%get3A_17, %get3A_18] : memref<512x128xf32, #tpu.memory_space<vmem>>, vector<512x128xf32>
    %swap3A_20 = arith.constant 0 : index
    %swap3A_21 = arith.constant 128 : index
    %swap3A_22 = vector.load %arg16[%swap3A_20, %swap3A_21] : memref<512x256xf32, #tpu.memory_space<vmem>>, vector<512x128xf32>
    tpu.vector_store %arg16[%swap3A_20, %swap3A_21], %get3A_19 {strides = array<i32>} : memref<512x256xf32, #tpu.memory_space<vmem>>, vector<512x128xf32>,
    %get3A_23 = arith.constant 0 : index
    %get3A_24 = arith.constant 0 : index
    %get3A_25 = vector.load %arg10[%get3A_23, %get3A_24] : memref<1x128xf32, #tpu.memory_space<vmem>>, vector<1x128xf32>
    %get3A_26 = arith.constant 0 : index
    %get3A_27 = arith.constant 0 : index
    %get3A_28 = vector.load %arg4[%get3A_26, %get3A_27] : memref<512x128xf32, #tpu.memory_space<vmem>>, vector<512x128xf32>
    %dot_general3A_29 = arith.constant dense<0.000000e+00> : vector<1x512xf32>
    %dot_general3A_30 = tpu.matmul %get3A_25, %get3A_28, %dot_general3A_29 {dimension_numbers = #tpu.dot_dimension_numbers<[1], [1], [0], [0], [0, 0, 1, 0], [], []>, transpose_lhs_hint = false} : vector<1x128xf32>, vector<512x128xf32>, vector<1x512xf32> -> vector<1x512xf32>
    %iota3A_31 = tpu.iota {dimensions = array<i32: 0>} : vector<512x1xi32>
    %broadcast_in_dim3A_32 = arith.constant 1.000000e+00 : f32
    %broadcast_in_dim3A_33 = vector.broadcast %broadcast_in_dim3A_32 : f32 to vector<512x1xf32>
    %broadcast_in_dim3A_34 = arith.constant 0.000000e+00 : f32
    %broadcast_in_dim3A_35 = vector.broadcast %broadcast_in_dim3A_34 : f32 to vector<1x1xf32>
    %broadcast_in_dim3A_36 = arith.constant 0 : i32
    %broadcast_in_dim3A_37 = vector.broadcast %broadcast_in_dim3A_36 : i32 to vector<1x512xi32>
    %scan3A_38 = arith.constant 0 : i32
    %scan3A_39 = arith.constant 512 : i32
    %scan3A_40 = arith.addi %scan3A_38, %scan3A_39 : i32
    %scan3A_41 = arith.constant 1 : i32
    %scan3A_42:6 = scf.for %scan3A_50 = %scan3A_38 to %scan3A_40 step %scan3A_41 iter_args(%scan3A_51 = %scan3A_12#0, %scan3A_52 = %scan3A_12#1, %scan3A_53 = %dot_general3A_30, %scan3A_54 = %broadcast_in_dim3A_33, %scan3A_55 = %broadcast_in_dim3A_35, %scan3A_56 = %broadcast_in_dim3A_37) -> (vector<1x128xf32>, vector<1x128xf32>, vector<1x512xf32>, vector<512x1xf32>, vector<1x1xf32>, vector<1x512xi32>)  : i32 {
      %get3A_57 = arith.constant 0 : index
      %get3A_58 = arith.constant 0 : index
      %get3A_59 = vector.load %arg5[%get3A_57, %get3A_58] : memref<512x128xf32, #tpu.memory_space<vmem>>, vector<512x128xf32>
      %dot_general3A_60 = arith.constant dense<0.000000e+00> : vector<1x512xf32>
      %dot_general3A_61 = tpu.matmul %scan3A_51, %get3A_59, %dot_general3A_60 {dimension_numbers = #tpu.dot_dimension_numbers<[1], [1], [0], [0], [0, 0, 1, 0], [], []>, transpose_lhs_hint = false} : vector<1x128xf32>, vector<512x128xf32>, vector<1x512xf32> -> vector<1x512xf32>
      %add3A = arith.addf %scan3A_53, %dot_general3A_61 : vector<1x512xf32>
      %get3A_62 = arith.constant 0 : index
      %get3A_63 = arith.constant 0 : index
      %get3A_64 = vector.load %arg6[%get3A_62, %get3A_63] : memref<1x512xf32, #tpu.memory_space<vmem>>, vector<1x512xf32>
      %add3A_65 = arith.addf %add3A, %get3A_64 : vector<1x512xf32>
      %slice3A = vector.extract_strided_slice %add3A_65 {offsets = [0, 0], sizes = [1, 128], strides = [1, 1]} : vector<1x512xf32> to vector<1x128xf32>
      %slice3A_66 = vector.extract_strided_slice %add3A_65 {offsets = [0, 128], sizes = [1, 128], strides = [1, 1]} : vector<1x512xf32> to vector<1x128xf32>
      %slice3A_67 = vector.extract_strided_slice %add3A_65 {offsets = [0, 256], sizes = [1, 128], strides = [1, 1]} : vector<1x512xf32> to vector<1x128xf32>
      %slice3A_68 = vector.extract_strided_slice %add3A_65 {offsets = [0, 384], sizes = [1, 128], strides = [1, 1]} : vector<1x512xf32> to vector<1x128xf32>
      %logistic3A = arith.negf %slice3A_66 : vector<1x128xf32>
      %logistic3A_69 = math.exp %logistic3A : vector<1x128xf32>
      %logistic3A_70 = arith.constant 1.000000e+00 : f32
      %logistic3A_71 = vector.broadcast %logistic3A_70 : f32 to vector<1x128xf32>
      %logistic3A_72 = arith.addf %logistic3A_71, %logistic3A_69 : vector<1x128xf32>
      %logistic3A_73 = arith.divf %logistic3A_71, %logistic3A_72 : vector<1x128xf32>
      %mul3A = arith.mulf %logistic3A_73, %scan3A_52 : vector<1x128xf32>
      %logistic3A_74 = arith.negf %slice3A : vector<1x128xf32>
      %logistic3A_75 = math.exp %logistic3A_74 : vector<1x128xf32>
      %logistic3A_76 = arith.constant 1.000000e+00 : f32
      %logistic3A_77 = vector.broadcast %logistic3A_76 : f32 to vector<1x128xf32>
      %logistic3A_78 = arith.addf %logistic3A_77, %logistic3A_75 : vector<1x128xf32>
      %logistic3A_79 = arith.divf %logistic3A_77, %logistic3A_78 : vector<1x128xf32>
      %tanh3A = math.tanh %slice3A_67 : vector<1x128xf32>
      %mul3A_80 = arith.mulf %logistic3A_79, %tanh3A : vector<1x128xf32>
      %add3A_81 = arith.addf %mul3A, %mul3A_80 : vector<1x128xf32>
      %logistic3A_82 = arith.negf %slice3A_68 : vector<1x128xf32>
      %logistic3A_83 = math.exp %logistic3A_82 : vector<1x128xf32>
      %logistic3A_84 = arith.constant 1.000000e+00 : f32
      %logistic3A_85 = vector.broadcast %logistic3A_84 : f32 to vector<1x128xf32>
      %logistic3A_86 = arith.addf %logistic3A_85, %logistic3A_83 : vector<1x128xf32>
      %logistic3A_87 = arith.divf %logistic3A_85, %logistic3A_86 : vector<1x128xf32>
      %tanh3A_88 = math.tanh %add3A_81 : vector<1x128xf32>
      %mul3A_89 = arith.mulf %logistic3A_87, %tanh3A_88 : vector<1x128xf32>
      %broadcast_in_dim3A_90 = vector.shape_cast %mul3A_89 : vector<1x128xf32> to vector<1x128xf32>
      %broadcast_in_dim3A_91 = vector.broadcast %broadcast_in_dim3A_90 : vector<1x128xf32> to vector<512x128xf32>
      %swap3A_92 = arith.constant 0 : index
      %swap3A_93 = arith.constant 0 : index
      %swap3A_94 = vector.load %arg16[%swap3A_92, %swap3A_93] : memref<512x256xf32, #tpu.memory_space<vmem>>, vector<512x128xf32>
      tpu.vector_store %arg16[%swap3A_92, %swap3A_93], %broadcast_in_dim3A_91 {strides = array<i32>} : memref<512x256xf32, #tpu.memory_space<vmem>>, vector<512x128xf32>,
      %get3A_95 = arith.constant 0 : index
      %get3A_96 = arith.constant 0 : index
      %get3A_97 = vector.load %arg16[%get3A_95, %get3A_96] : memref<512x256xf32, #tpu.memory_space<vmem>>, vector<512x256xf32>
      %get3A_98 = arith.constant 0 : index
      %get3A_99 = arith.constant 0 : index
      %get3A_100 = vector.load %arg7[%get3A_98, %get3A_99] : memref<256x128xf32, #tpu.memory_space<vmem>>, vector<256x128xf32>
      %dot_general3A_101 = arith.constant dense<0.000000e+00> : vector<512x128xf32>
      %dot_general3A_102 = tpu.matmul %get3A_97, %get3A_100, %dot_general3A_101 {dimension_numbers = #tpu.dot_dimension_numbers<[1], [0], [0], [1], [0, 0, 1, 1], [], []>, transpose_lhs_hint = false} : vector<512x256xf32>, vector<256x128xf32>, vector<512x128xf32> -> vector<512x128xf32>
      %get3A_103 = arith.constant 0 : index
      %get3A_104 = arith.constant 0 : index
      %get3A_105 = vector.load %arg8[%get3A_103, %get3A_104] : memref<1x128xf32, #tpu.memory_space<vmem>>, vector<1x128xf32>
      %add3A_106 = vector.broadcast %get3A_105 : vector<1x128xf32> to vector<512x128xf32>
      %add3A_107 = arith.addf %dot_general3A_102, %add3A_106 : vector<512x128xf32>
      %tanh3A_108 = math.tanh %add3A_107 : vector<512x128xf32>
      %get3A_109 = arith.constant 0 : index
      %get3A_110 = arith.constant 0 : index
      %get3A_111 = vector.load %arg9[%get3A_109, %get3A_110] : memref<128x1xf32, #tpu.memory_space<vmem>>, vector<128x1xf32>
      %dot_general3A_112 = arith.constant dense<0.000000e+00> : vector<512x1xf32>
      %dot_general3A_113 = tpu.matmul %tanh3A_108, %get3A_111, %dot_general3A_112 {dimension_numbers = #tpu.dot_dimension_numbers<[1], [0], [0], [1], [0, 0, 1, 1], [], []>, transpose_lhs_hint = false} : vector<512x128xf32>, vector<128x1xf32>, vector<512x1xf32> -> vector<512x1xf32>
      %tanh3A_114 = math.tanh %dot_general3A_113 : vector<512x1xf32>
      %mul3A_115 = arith.constant 1.000000e+01 : f32
      %mul3A_116 = vector.broadcast %mul3A_115 : f32 to vector<512x1xf32>
      %mul3A_117 = arith.mulf %mul3A_116, %tanh3A_114 : vector<512x1xf32>
      %eq3A = arith.constant 0.000000e+00 : f32
      %eq3A_118 = vector.broadcast %eq3A : f32 to vector<512x1xf32>
      %eq3A_119 = arith.cmpf oeq, %scan3A_54, %eq3A_118 : vector<512x1xf32>
      %jit3A = arith.constant -1.000000e+09 : f32
      %broadcast_in_dim3A_120 = vector.broadcast %jit3A : f32 to vector<512x1xf32>
      %select_n3A = arith.select %eq3A_119, %broadcast_in_dim3A_120, %mul3A_117 : vector<512x1xi1>, vector<512x1xf32>
      %reduce_max3A = vector.shape_cast %select_n3A : vector<512x1xf32> to vector<1x512x1xf32>
      %reduce_max3A_121 = arith.constant dense<0xFF800000> : vector<1xf32>
      %reduce_max3A_122 = vector.multi_reduction <maximumf>, %reduce_max3A, %reduce_max3A_121 [1, 2] : vector<1x512x1xf32> to vector<1xf32>
      %reduce_max3A_123 = vector.shape_cast %reduce_max3A_122 : vector<1xf32> to vector<1x1x1xf32>
      %reduce_max3A_124 = vector.extract %reduce_max3A_123[0, 0, 0] : f32 from vector<1x1x1xf32>
      %sub3A = vector.broadcast %reduce_max3A_124 : f32 to vector<512x1xf32>
      %sub3A_125 = arith.subf %select_n3A, %sub3A : vector<512x1xf32>
      %exp3A = math.exp %sub3A_125 : vector<512x1xf32>
      %reduce_sum3A = vector.shape_cast %exp3A : vector<512x1xf32> to vector<1x512x1xf32>
      %reduce_sum3A_126 = arith.constant dense<0.000000e+00> : vector<1xf32>
      %reduce_sum3A_127 = vector.multi_reduction <add>, %reduce_sum3A, %reduce_sum3A_126 [1, 2] : vector<1x512x1xf32> to vector<1xf32>
      %reduce_sum3A_128 = vector.shape_cast %reduce_sum3A_127 : vector<1xf32> to vector<1x1x1xf32>
      %reduce_sum3A_129 = vector.extract %reduce_sum3A_128[0, 0, 0] : f32 from vector<1x1x1xf32>
      %log3A = math.log %reduce_sum3A_129 : f32
      %add3A_130 = arith.addf %reduce_max3A_124, %log3A : f32
      %sub3A_131 = vector.broadcast %add3A_130 : f32 to vector<512x1xf32>
      %sub3A_132 = arith.subf %select_n3A, %sub3A_131 : vector<512x1xf32>
      %squeeze3A = vector.extract %scan3A_55[0, 0] : f32 from vector<1x1xf32>
      %add3A_133 = vector.broadcast %squeeze3A : f32 to vector<512x1xf32>
      %add3A_134 = arith.addf %sub3A_132, %add3A_133 : vector<512x1xf32>
      %reduce_max3A_135 = vector.shape_cast %add3A_134 : vector<512x1xf32> to vector<1x512x1xf32>
      %reduce_max3A_136 = arith.constant dense<0xFF800000> : vector<1xf32>
      %reduce_max3A_137 = vector.multi_reduction <maximumf>, %reduce_max3A_135, %reduce_max3A_136 [1, 2] : vector<1x512x1xf32> to vector<1xf32>
      %reduce_max3A_138 = vector.shape_cast %reduce_max3A_137 : vector<1xf32> to vector<1x1x1xf32>
      %reduce_max3A_139 = vector.extract %reduce_max3A_138[0, 0, 0] : f32 from vector<1x1x1xf32>
      %eq3A_140 = vector.broadcast %reduce_max3A_139 : f32 to vector<512x1xf32>
      %eq3A_141 = arith.cmpf oeq, %add3A_134, %eq3A_140 : vector<512x1xf32>
      %jit3A_142 = arith.constant 512 : i32
      %broadcast_in_dim3A_143 = vector.broadcast %jit3A_142 : i32 to vector<512x1xi32>
      %select_n3A_144 = arith.select %eq3A_141, %iota3A_31, %broadcast_in_dim3A_143 : vector<512x1xi1>, vector<512x1xi32>
      %reduce_min3A = vector.shape_cast %select_n3A_144 : vector<512x1xi32> to vector<1x512x1xi32>
      %reduce_min3A_145 = arith.constant dense<2147483647> : vector<1xi32>
      %reduce_min3A_146 = vector.multi_reduction <minsi>, %reduce_min3A, %reduce_min3A_145 [1, 2] : vector<1x512x1xi32> to vector<1xi32>
      %reduce_min3A_147 = vector.shape_cast %reduce_min3A_146 : vector<1xi32> to vector<1x1x1xi32>
      %reduce_min3A_148 = vector.extract %reduce_min3A_147[0, 0, 0] : i32 from vector<1x1x1xi32>
      %eq3A_149 = vector.broadcast %reduce_min3A_148 : i32 to vector<512x1xi32>
      %eq3A_150 = arith.cmpi eq, %iota3A_31, %eq3A_149 : vector<512x1xi32>
      %jit3A_151 = arith.constant 0.000000e+00 : f32
      %broadcast_in_dim3A_152 = vector.broadcast %jit3A_151 : f32 to vector<512x1xf32>
      %select_n3A_153 = arith.select %eq3A_150, %sub3A_132, %broadcast_in_dim3A_152 : vector<512x1xi1>, vector<512x1xf32>
      %reduce_sum3A_154 = vector.shape_cast %select_n3A_153 : vector<512x1xf32> to vector<1x512x1xf32>
      %reduce_sum3A_155 = arith.constant dense<0.000000e+00> : vector<1xf32>
      %reduce_sum3A_156 = vector.multi_reduction <add>, %reduce_sum3A_154, %reduce_sum3A_155 [1, 2] : vector<1x512x1xf32> to vector<1xf32>
      %reduce_sum3A_157 = vector.shape_cast %reduce_sum3A_156 : vector<1xf32> to vector<1x1x1xf32>
      %reduce_sum3A_158 = vector.extract %reduce_sum3A_157[0, 0, 0] : f32 from vector<1x1x1xf32>
      %add3A_159 = vector.broadcast %reduce_sum3A_158 : f32 to vector<1x1xf32>
      %add3A_160 = arith.addf %scan3A_55, %add3A_159 : vector<1x1xf32>
      %eq3A_161 = vector.broadcast %reduce_min3A_148 : i32 to vector<512x1xi32>
      %eq3A_162 = arith.cmpi eq, %iota3A_31, %eq3A_161 : vector<512x1xi32>
      %jit3A_163 = arith.constant 0.000000e+00 : f32
      %broadcast_in_dim3A_164 = vector.broadcast %jit3A_163 : f32 to vector<512x1xf32>
      %select_n3A_165 = arith.select %eq3A_162, %broadcast_in_dim3A_164, %scan3A_54 : vector<512x1xi1>, vector<512x1xf32>
      %eq3A_166 = vector.broadcast %scan3A_50 : i32 to vector<1x512xi32>
      %eq3A_167 = arith.cmpi eq, %iota3A, %eq3A_166 : vector<1x512xi32>
      %broadcast_in_dim3A_168 = vector.broadcast %reduce_min3A_148 : i32 to vector<1x512xi32>
      %select_n3A_169 = arith.select %eq3A_167, %broadcast_in_dim3A_168, %scan3A_56 : vector<1x512xi1>, vector<1x512xi32>
      %get3A_170 = arith.index_cast %reduce_min3A_148 : i32 to index
      %get3A_171 = arith.constant 0 : index
      %get3A_172 = vector.load %arg14[%get3A_170, %get3A_171] : memref<512x128xf32, #tpu.memory_space<vmem>>, vector<1x128xf32>
      %get3A_173 = arith.constant 0 : index
      %get3A_174 = arith.constant 0 : index
      %get3A_175 = vector.load %arg4[%get3A_173, %get3A_174] : memref<512x128xf32, #tpu.memory_space<vmem>>, vector<512x128xf32>
      %dot_general3A_176 = arith.constant dense<0.000000e+00> : vector<1x512xf32>
      %dot_general3A_177 = tpu.matmul %get3A_172, %get3A_175, %dot_general3A_176 {dimension_numbers = #tpu.dot_dimension_numbers<[1], [1], [0], [0], [0, 0, 1, 0], [], []>, transpose_lhs_hint = false} : vector<1x128xf32>, vector<512x128xf32>, vector<1x512xf32> -> vector<1x512xf32>
      scf.yield %mul3A_89, %add3A_81, %dot_general3A_177, %select_n3A_165, %add3A_160, %select_n3A_169 : vector<1x128xf32>, vector<1x128xf32>, vector<1x512xf32>, vector<512x1xf32>, vector<1x1xf32>, vector<1x512xi32>
    }
    %scan3A_43 = arith.constant 512 : i32
    %swap3A_44 = arith.constant 0 : index
    %swap3A_45 = arith.constant 0 : index
    %swap3A_46 = vector.load %arg11[%swap3A_44, %swap3A_45] : memref<1x1xf32, #tpu.memory_space<vmem>>, vector<1x1xf32>
    tpu.vector_store %arg11[%swap3A_44, %swap3A_45], %scan3A_42#4 {strides = array<i32>} : memref<1x1xf32, #tpu.memory_space<vmem>>, vector<1x1xf32>,
    %swap3A_47 = arith.constant 0 : index
    %swap3A_48 = arith.constant 0 : index
    %swap3A_49 = vector.load %arg12[%swap3A_47, %swap3A_48] : memref<1x512xi32, #tpu.memory_space<vmem>>, vector<1x512xi32>
    tpu.vector_store %arg12[%swap3A_47, %swap3A_48], %scan3A_42#5 {strides = array<i32>} : memref<1x512xi32, #tpu.memory_space<vmem>>, vector<1x512xi32>,
    return
  }
}

</mosaic_0001>

<sc_bundles>
// kernel: scatter_offload_async_start.1
scs
__scs_entry_jumppad:
0x0: {  	(pc) =	sbr.rel $0x88, $3  }
0x1: {  	(tag) =	ssettag $0x0;
	lr =	simm.s32 $0x1  }
0x2: {  	[smem:$0x3F91] =	sst lr;
	_ =	strace $0xD0000000  }
0x3: {  	_ = 	snop  }
0x4: {  	_ = 	snop  }
0x5: {  	_ = 	snop  }
0x6: {  	_ = 	snop  }
0x7: {  	_ = 	snop  }
__scs_overlays_trampoline_lowered:
0x8: {  	[smem:$0x3FA0] =	sst s0  }
0x9: {  	[smem:$0x3FA1] =	sst s1  }
0xa: {  	[smem:$0x3FA2] =	sst s2  }
0xb: {  	[smem:$0x3FA3] =	sst s3  }
0xc: {  	[smem:$0x3FA4] =	sst s4  }
0xd: {  	[smem:$0x3FA5] =	sst s5  }
0xe: {  	[smem:$0x3FA6] =	sst s6  }
0xf: {  	[smem:$0x3FA7] =	sst s7  }
0x10: {  	[smem:$0x3FA8] =	sst s8  }
0x11: {  	[smem:$0x3FA9] =	sst s9;
	s0 =	simm.s32 @!p0 $0x0  }
0x12: {  	s1 =	sld [smem:$0x3F8F];
	s0 =	simm.s32 @p0 $0x1  }
0x13: {  	[smem:$0x3FAA] =	sst s0;
	s0 =	simm.s32 @!p1 $0x0  }
0x14: {  	s2 =	sld [smem:$0x3F8E];
	s0 =	simm.s32 @p1 $0x1  }
0x15: {  	[smem:$0x3FAB] =	sst s0;
	s0 =	simm.s32 @!p2 $0x0  }
0x16: {  	s3 =	sld [smem:$0x3FDB];
	s0 =	simm.s32 @p2 $0x1  }
0x17: {  	s4 =	simm.s32 $0x1BF5;
	[smem:$0x3FAD] =	sst s0  }
0x18: {  	s0 =	sld [smem:$0x3F90];
	_ =	swait.ge [sflag:s4], $0x0  }
0x19: {  	s7 =	sld [smem:$0x3F91]  }
0x1a: {  	s8 =	sadd.s32 $0xFFFFE003, lr  }
0x1b: {  	s9 =	sadd.s32 $0xFFFFFEF7, lr;
	s5 =	simm.s32 $0xFFFFFFFF;
	p2 =	slt.u32 s8, $0xFFFFF086  }
0x1c: {  	p1 =	slt.u32 s9, $0xF7A;
	s5 =	simm.s32 @!p2 $0x0  }
0x1d: {  	s5 =	simm.s32 @p1 $0x1;
	p0 =	seq.s32 s7, s2  }
0x1e: {  	s7 =	smul.u32 @!p0 $0xF7A, s2;
	p2 =	seq.s32 @!p0 s5, $0x0  }
0x1f: {  	s9 =	smul.u32 $0xF7A, s1;
	s8 =	simm.s32 @!p0 $0x1BF5;
	p2 =	por !p2, p0  }
0x20: {  	[sflag:s8] =	ssyncset.s32 @!p0 $0xFFFFF086;
	s6 =	sadd.s32 @!p0 s3, s7;
	s7 =	simm.s32 @!p0 $0x108  }
0x21: {  	s3 =	sadd.s32 s3, s9;
	s6 =	sadd.s32 @!p0 $0x88, s6;
	s7 =	simm.s32 @p2 $0x1082  }
0x22: {  	[simem:s7], [sflag:s8] =	dma.local @!p0 [hbm:s6], $0xF7A  }
0x23: {  	s9 =	sor.u32 $0xD0000000, s2;
	s6 =	simm.s32 $0x108;
	_ =	swait.ge @!p0 [sflag:s8], $0x0  }
0x24: {  	s3 =	sadd.s32 $0x88, s3;
	s6 =	simm.s32 @!p1 $0x1082;
	[sflag:s4] =	ssyncset.s32 $0xFFFFF086  }
0x25: {  	[simem:s6], [sflag:s4] =	dma.local [hbm:s3], $0xF7A  }
0x26: {  	[smem:$0x3F91] =	sst s1;
	(tag) =	ssettag s2;
	_ =	strace s9  }
0x27: {  	s1 =	sld [smem:$0x3FA1]  }
0x28: {  	s2 =	sld [smem:$0x3FA2]  }
0x29: {  	s4 =	sld [smem:$0x3FA4]  }
0x2a: {  	p0 =	seq.s32 s5, $0x0;
	s5 =	sld [smem:$0x3FA5]  }
0x2b: {  	s6 =	sld [smem:$0x3FA6]  }
0x2c: {  	s7 =	sld [smem:$0x3FA7]  }
0x2d: {  	s3 =	simm.s32 $0x108;
	s8 =	sld [smem:$0x3FA8]  }
0x2e: {  	s3 =	simm.s32 @!p0 $0x1082;
	s9 =	sld [smem:$0x3FA9]  }
0x2f: {  	lr =	sadd.s32 s0, s3;
	s0 =	sld [smem:$0x3FA0]  }
0x30: {  	s3 =	sld [smem:$0x3FA3]  }
0x31: {  	[smem:$0x3FAC] =	sst s10  }
0x32: {  	s10 =	sld [smem:$0x3FAA];
	_ =	sdelay $0x3  }
0x33: {  	p0 =	seq.s32 s10, $0x1;
	s10 =	sld [smem:$0x3FAC];
	_ =	sdelay $0x3  }
0x34: {  	[smem:$0x3FAC] =	sst s10  }
0x35: {  	s10 =	sld [smem:$0x3FAB];
	_ =	sdelay $0x3  }
0x36: {  	p1 =	seq.s32 s10, $0x1;
	s10 =	sld [smem:$0x3FAC];
	_ =	sdelay $0x3  }
0x37: {  	[smem:$0x3FAC] =	sst s10  }
0x38: {  	s10 =	sld [smem:$0x3FAD]  }
0x39: {  	_ = 	snop;
	(pc) =	sbr.ind lr, $3  }
0x3a: {  	_ = 	snop  }
0x3b: {  	_ = 	snop  }
0x3c: {  	p2 =	seq.s32 s10, $0x1;
	s10 =	sld [smem:$0x3FAC]  }
0x3d: {  	_ =	shalt  }
0x3e: {  	_ =	shalt  }
0x3f: {  	_ =	shalt  }
0x40: {  	_ =	shalt  }
0x41: {  	_ =	shalt  }
0x42: {  	_ =	shalt  }
0x43: {  	_ =	shalt  }
0x44: {  	_ =	shalt  }
0x45: {  	_ =	shalt  }
0x46: {  	_ =	shalt  }
0x47: {  	_ =	shalt  }
0x48: {  	_ =	shalt  }
0x49: {  	_ =	shalt  }
0x4a: {  	_ =	shalt  }
0x4b: {  	_ =	shalt  }
0x4c: {  	_ =	shalt  }
0x4d: {  	_ =	shalt  }
0x4e: {  	_ =	shalt  }
0x4f: {  	_ =	shalt  }
0x50: {  	_ =	shalt  }
0x51: {  	_ =	shalt  }
0x52: {  	_ =	shalt  }
0x53: {  	_ =	shalt  }
0x54: {  	_ =	shalt  }
0x55: {  	_ =	shalt  }
0x56: {  	_ =	shalt  }
0x57: {  	_ =	shalt  }
0x58: {  	_ =	shalt  }
0x59: {  	_ =	shalt  }
0x5a: {  	_ =	shalt  }
0x5b: {  	_ =	shalt  }
0x5c: {  	_ =	shalt  }
0x5d: {  	_ =	shalt  }
0x5e: {  	_ =	shalt  }
0x5f: {  	_ =	shalt  }
0x60: {  	_ =	shalt  }
0x61: {  	_ =	shalt  }
0x62: {  	_ =	shalt  }
0x63: {  	_ =	shalt  }
0x64: {  	_ =	shalt  }
0x65: {  	_ =	shalt  }
0x66: {  	_ =	shalt  }
0x67: {  	_ =	shalt  }
0x68: {  	_ =	shalt  }
0x69: {  	_ =	shalt  }
0x6a: {  	_ =	shalt  }
0x6b: {  	_ =	shalt  }
0x6c: {  	_ =	shalt  }
0x6d: {  	_ =	shalt  }
0x6e: {  	_ =	shalt  }
0x6f: {  	_ =	shalt  }
0x70: {  	_ =	shalt  }
0x71: {  	_ =	shalt  }
0x72: {  	_ =	shalt  }
0x73: {  	_ =	shalt  }
0x74: {  	_ =	shalt  }
0x75: {  	_ =	shalt  }
0x76: {  	_ =	shalt  }
0x77: {  	_ =	shalt  }
0x78: {  	_ =	shalt  }
0x79: {  	_ =	shalt  }
0x7a: {  	_ =	shalt  }
0x7b: {  	_ =	shalt  }
0x7c: {  	_ =	shalt  }
0x7d: {  	_ =	shalt  }
0x7e: {  	_ =	shalt  }
0x7f: {  	_ =	shalt  }
0x80: {  	_ =	shalt  }
0x81: {  	_ =	shalt  }
0x82: {  	_ =	shalt  }
0x83: {  	_ =	shalt  }
0x84: {  	_ =	shalt  }
0x85: {  	_ =	shalt  }
0x86: {  	_ =	shalt  }
0x87: {  	_ =	shalt  }
.Lfunc_end0:
.L_simem_size_0:
called_computation.1_lowered:
.L_overlay_start_0:
0x88: {  	s2 =	sld [smem:$0x3FD9]  }
0x89: {  	s3 =	sld [smem:$0x3FFE];
	_ =	sdelay $0x1  }
0x8a: {  	s1 =	srdreg.scid  }
0x8b: {  	s0 =	sand.u32 $0x1, s1  }
0x8c: {  	s15 =	sshll.u32 s0, $0xA;
	s2 =	sadd.s32 s3, s2  }
0x8d: {  	s2 =	sadd.s32 s2, s15  }
0x8e: {  	[smem:$0x3FB8] =	sst s2  }
0x8f: {  	_ = 	snop  }
0x90: {  	(tm) =	ssettm $0x1  }
0x91: {  	s16 =	sld [smem:$0x3FFB];
	_ =	sdelay $0x3  }
0x92: {  	_ =	strace s16  }
0x93: {  	s2 =	sld [smem:$0x3FFC];
	_ =	sdelay $0x3  }
0x94: {  	_ =	strace s2  }
0x95: {  	s2 =	sld [smem:$0x3FFD];
	_ =	sdelay $0x3  }
0x96: {  	_ =	strace s2  }
0x97: {  	_ =	strace $0x8FFFFFFF  }
0x98: {  	s17 =	sld [smem:$0x3FDB];
	_ =	sdelay $0x1  }
0x99: {  	s18 =	simm.s32 $_scs_section_size  }
0x9a: {  	s4 =	simm.s32 $_size__tile_overlayer_lowered;
	s5 =	simm.s32 $_tile_overlayer_lowered  }
0x9b: {  	s21 =	simm.s32 $0x1BFF;
	s20 =	sshll.u32 s5, $0x1;
	s2 =	sadd.s32 s18, s17  }
0x9c: {  	s6 =	simm.s32 $0x0;
	s19 =	sshll.u32 s4, $0x1;
	s4 =	sadd.s32 s20, s2  }
0x9d: {  	[timem:s6], [sflag:s21] =	dma.local [hbm:s4], s19  }
0x9e: {  	_ =	swait.ge [sflag:s21], s19  }
0x9f: {  	s3 =	ssub.s32 $0x0, s19;
	[sflag:s21] =	ssyncset.done $0x0  }
0xa0: {  	[sflag:s21] =	ssyncadd.s32 s3;
	_ =	sdelay $0x1  }
0xa1: {  	s22 =	simm.s32 $0x1B8B  }
0xa2: {  	_ =	swait.ge [sflag:s22], $0x1  }
0xa3: {  	[sflag:s22] =	ssyncset.done $0x0  }
0xa4: {  	s23 =	sld [smem:$0x3FFE];
	[sflag:s22] =	ssyncadd.s32 $0xFFFFFFFF  }
0xa5: {  	s25 =	simm.s32 $0x1B8E;
	s24 =	sld [smem:$0x0]  }
0xa6: {  	s26 =	simm.s32 $execute0_lowered;
	[smem:$0x3FD2] =	sst s25  }
0xa7: {  	s5 =	sshll.u32 s26, $0x1;
	_ =	strace $0x80000049;
	[dreg:$0x1] =	wrdreg $0xFFFFFFFF  }
0xa8: {  	s28 =	simm.s32 $_size_execute0_lowered;
	s2 =	sadd.s32 s2, s5;
	[dreg:$0x0] =	wrdreg $0x0  }
0xa9: {  	s5 =	sshll.u32 s28, $0x1;
	[dreg:$0x2] =	wrdreg s2  }
0xaa: {  	[dreg:$0x3] =	wrdreg s5  }
0xab: {  	[dreg:$0x4] =	wrdreg $0xC0  }
0xac: {  	_ =	task [dreg:s6], $0x5FFFF  }
0xad: {  	[dreg:$0x1] =	wrdreg $0xFFFFFFFF  }
0xae: {  	[dreg:$0x0] =	wrdreg $0x60  }
0xaf: {  	[dreg:$0x2] =	wrdreg s23  }
0xb0: {  	[dreg:$0x3] =	wrdreg s1  }
0xb1: {  	[dreg:$0x4] =	wrdreg s24  }
0xb2: {  	[dreg:$0x5] =	wrdreg $0x9  }
0xb3: {  	_ =	task.clear_ibuf [dreg:s6], $0x6FFFF;
	_ =	strace $0x90000049  }
0xb4: {  	s29 =	simm.s32 $0x9;
	_ =	strace $0x8000004B  }
0xb5: {  	_ =	swait.ge [sflag:s29], $0x1  }
0xb6: {  	[sflag:s29] =	ssyncadd.s32 $0xFFFFFFFF  }
0xb7: {  	_ =	strace $0x9000004B  }
0xb8: {  	_ =	sfence  }
0xb9: {  	s30 =	sld [smem:$0x0];
	_ =	sdelay $0x2  }
0xba: {  	s31 =	sshll.u32 s1, $0xD;
	s1 =	sshrl.u32 s1, $0x2  }
0xbb: {  	s3 =	sand.u32 $0x4000, s31;
	s1 =	sadd.s32 s1, s30  }
0xbc: {  	s0 =	sor.u32 s3, s0;
	s1 =	sshll.u32 s1, $0x11  }
0xbd: {  	s0 =	sor.u32 s1, s0  }
0xbe: {  	s0 =	sadd.s32 $0x8F2B, s0  }
0xbf: {  	[sflag:s0] =	ssyncadd.remote.s32 $0x1  }
0xc0: {  	_ =	sfence.sel $0xFFFF  }
0xc1: {  	[dreg:$0x0] =	wrdreg $0xFFFFFFFF;
	(pc) =	sbr.abs _section_cstart, $3  }
0xc2: {  	[dreg:$0x1] =	wrdreg $0xFFFFFFFF  }
0xc3: {  	_ =	task.clear_ibuf [dreg:s6], $0x2FFFF;
	_ =	strace $0x9FFFFFFF  }
0xc4: {  	(tm) =	ssettm $0x7FFFFFFF  }
0xc5: {  	_ =	shalt  }
tec
execute0_lowered:
.L_overlay_start_1:
0x0: {  	(tag) =	ssettag $0x1  }
0x1: {  	s11 =	rddreg [dreg:$0x0]  }
0x2: {  	s2 =	rddreg [dreg:$0x1];
	_ =	strace $0x8000004A;
	s12 =	simm.s32 $0x1  }
0x3: {  	v0 =	vimm.s32 $0x0;
	[sflag:s12] =	ssyncpa.u1 $0x0  }
0x4: {  	[tilespmem:$0x28] =	vst v0  }
0x5: {  	[tilespmem:$0x38] =	vst v0  }
0x6: {  	[tilespmem:$0x48] =	vst v0  }
0x7: {  	[tilespmem:$0x58] =	vst v0  }
0x8: {  	[tilespmem:$0x68] =	vst v0  }
0x9: {  	[tilespmem:$0x78] =	vst v0  }
0xa: {  	[tilespmem:$0x88] =	vst v0  }
0xb: {  	[tilespmem:$0x98] =	vst v0  }
0xc: {  	[tilespmem:$0xA8] =	vst v0  }
0xd: {  	[tilespmem:$0xB8] =	vst v0  }
0xe: {  	[tilespmem:$0xC8] =	vst v0  }
0xf: {  	[tilespmem:$0xD8] =	vst v0  }
0x10: {  	[tilespmem:$0xE8] =	vst v0  }
0x11: {  	[tilespmem:$0xF8] =	vst v0  }
0x12: {  	[tilespmem:$0x108] =	vst v0  }
0x13: {  	[tilespmem:$0x118] =	vst v0  }
0x14: {  	[tilespmem:$0x128] =	vst v0  }
0x15: {  	[tilespmem:$0x138] =	vst v0  }
0x16: {  	[tilespmem:$0x148] =	vst v0  }
0x17: {  	[tilespmem:$0x158] =	vst v0  }
0x18: {  	[tilespmem:$0x168] =	vst v0  }
0x19: {  	[tilespmem:$0x178] =	vst v0  }
0x1a: {  	[tilespmem:$0x188] =	vst v0  }
0x1b: {  	[tilespmem:$0x198] =	vst v0  }
0x1c: {  	[tilespmem:$0x1A8] =	vst v0  }
0x1d: {  	[tilespmem:$0x1B8] =	vst v0  }
0x1e: {  	[tilespmem:$0x1C8] =	vst v0  }
0x1f: {  	[tilespmem:$0x1D8] =	vst v0  }
0x20: {  	[tilespmem:$0x1E8] =	vst v0  }
0x21: {  	[tilespmem:$0x1F8] =	vst v0  }
0x22: {  	[tilespmem:$0x208] =	vst v0  }
0x23: {  	[tilespmem:$0x218] =	vst v0  }
0x24: {  	[tilespmem:$0x228] =	vst v0  }
0x25: {  	[tilespmem:$0x238] =	vst v0  }
0x26: {  	[tilespmem:$0x248] =	vst v0  }
0x27: {  	[tilespmem:$0x258] =	vst v0  }
0x28: {  	[tilespmem:$0x268] =	vst v0  }
0x29: {  	[tilespmem:$0x278] =	vst v0  }
0x2a: {  	[tilespmem:$0x288] =	vst v0  }
0x2b: {  	[tilespmem:$0x298] =	vst v0  }
0x2c: {  	[tilespmem:$0x2A8] =	vst v0  }
0x2d: {  	[tilespmem:$0x2B8] =	vst v0  }
0x2e: {  	[tilespmem:$0x2C8] =	vst v0  }
0x2f: {  	[tilespmem:$0x2D8] =	vst v0  }
0x30: {  	[tilespmem:$0x2E8] =	vst v0  }
0x31: {  	[tilespmem:$0x2F8] =	vst v0  }
0x32: {  	[tilespmem:$0x308] =	vst v0  }
0x33: {  	[tilespmem:$0x318] =	vst v0  }
0x34: {  	[tilespmem:$0x328] =	vst v0  }
0x35: {  	[tilespmem:$0x338] =	vst v0  }
0x36: {  	[tilespmem:$0x348] =	vst v0  }
0x37: {  	[tilespmem:$0x358] =	vst v0  }
0x38: {  	[tilespmem:$0x368] =	vst v0  }
0x39: {  	[tilespmem:$0x378] =	vst v0  }
0x3a: {  	[tilespmem:$0x388] =	vst v0  }
0x3b: {  	[tilespmem:$0x398] =	vst v0  }
0x3c: {  	[tilespmem:$0x3A8] =	vst v0  }
0x3d: {  	[tilespmem:$0x3B8] =	vst v0  }
0x3e: {  	[tilespmem:$0x3C8] =	vst v0  }
0x3f: {  	[tilespmem:$0x3D8] =	vst v0  }
0x40: {  	[tilespmem:$0x3E8] =	vst v0  }
0x41: {  	[tilespmem:$0x3F8] =	vst v0  }
0x42: {  	[tilespmem:$0x408] =	vst v0  }
0x43: {  	[tilespmem:$0x418] =	vst v0  }
0x44: {  	[tilespmem:$0x428] =	vst v0  }
0x45: {  	[tilespmem:$0x438] =	vst v0  }
0x46: {  	[tilespmem:$0x448] =	vst v0  }
0x47: {  	[tilespmem:$0x458] =	vst v0  }
0x48: {  	[tilespmem:$0x468] =	vst v0  }
0x49: {  	[tilespmem:$0x478] =	vst v0  }
0x4a: {  	[tilespmem:$0x488] =	vst v0  }
0x4b: {  	[tilespmem:$0x498] =	vst v0  }
0x4c: {  	[tilespmem:$0x4A8] =	vst v0  }
0x4d: {  	[tilespmem:$0x4B8] =	vst v0  }
0x4e: {  	[tilespmem:$0x4C8] =	vst v0  }
0x4f: {  	[tilespmem:$0x4D8] =	vst v0  }
0x50: {  	[tilespmem:$0x4E8] =	vst v0  }
0x51: {  	[tilespmem:$0x4F8] =	vst v0  }
0x52: {  	[tilespmem:$0x508] =	vst v0  }
0x53: {  	[tilespmem:$0x518] =	vst v0  }
0x54: {  	[tilespmem:$0x528] =	vst v0  }
0x55: {  	[tilespmem:$0x538] =	vst v0  }
0x56: {  	[tilespmem:$0x548] =	vst v0  }
0x57: {  	[tilespmem:$0x558] =	vst v0  }
0x58: {  	[tilespmem:$0x568] =	vst v0  }
0x59: {  	[tilespmem:$0x578] =	vst v0  }
0x5a: {  	[tilespmem:$0x588] =	vst v0  }
0x5b: {  	[tilespmem:$0x598] =	vst v0  }
0x5c: {  	[tilespmem:$0x5A8] =	vst v0  }
0x5d: {  	[tilespmem:$0x5B8] =	vst v0  }
0x5e: {  	[tilespmem:$0x5C8] =	vst v0  }
0x5f: {  	[tilespmem:$0x5D8] =	vst v0  }
0x60: {  	[tilespmem:$0x5E8] =	vst v0  }
0x61: {  	[tilespmem:$0x5F8] =	vst v0  }
0x62: {  	[tilespmem:$0x608] =	vst v0  }
0x63: {  	[tilespmem:$0x618] =	vst v0  }
0x64: {  	[tilespmem:$0x628] =	vst v0  }
0x65: {  	[tilespmem:$0x638] =	vst v0  }
0x66: {  	[tilespmem:$0x648] =	vst v0  }
0x67: {  	[tilespmem:$0x658] =	vst v0  }
0x68: {  	[tilespmem:$0x668] =	vst v0  }
0x69: {  	[tilespmem:$0x678] =	vst v0  }
0x6a: {  	[tilespmem:$0x688] =	vst v0  }
0x6b: {  	[tilespmem:$0x698] =	vst v0  }
0x6c: {  	[tilespmem:$0x6A8] =	vst v0  }
0x6d: {  	[tilespmem:$0x6B8] =	vst v0  }
0x6e: {  	[tilespmem:$0x6C8] =	vst v0  }
0x6f: {  	[tilespmem:$0x6D8] =	vst v0  }
0x70: {  	[tilespmem:$0x6E8] =	vst v0  }
0x71: {  	[tilespmem:$0x6F8] =	vst v0  }
0x72: {  	[tilespmem:$0x708] =	vst v0  }
0x73: {  	[tilespmem:$0x718] =	vst v0  }
0x74: {  	[tilespmem:$0x728] =	vst v0  }
0x75: {  	[tilespmem:$0x738] =	vst v0  }
0x76: {  	[tilespmem:$0x748] =	vst v0  }
0x77: {  	[tilespmem:$0x758] =	vst v0  }
0x78: {  	[tilespmem:$0x768] =	vst v0  }
0x79: {  	[tilespmem:$0x778] =	vst v0  }
0x7a: {  	[tilespmem:$0x788] =	vst v0  }
0x7b: {  	[tilespmem:$0x798] =	vst v0  }
0x7c: {  	[tilespmem:$0x7A8] =	vst v0  }
0x7d: {  	[tilespmem:$0x7B8] =	vst v0  }
0x7e: {  	[tilespmem:$0x7C8] =	vst v0  }
0x7f: {  	[tilespmem:$0x7D8] =	vst v0  }
0x80: {  	[tilespmem:$0x7E8] =	vst v0  }
0x81: {  	[tilespmem:$0x7F8] =	vst v0  }
0x82: {  	[tilespmem:$0x808] =	vst v0  }
0x83: {  	[tilespmem:$0x818] =	vst v0  }
0x84: {  	[tilespmem:$0x828] =	vst v0  }
0x85: {  	[tilespmem:$0x838] =	vst v0  }
0x86: {  	[tilespmem:$0x848] =	vst v0  }
0x87: {  	[tilespmem:$0x858] =	vst v0  }
0x88: {  	[tilespmem:$0x868] =	vst v0  }
0x89: {  	[tilespmem:$0x878] =	vst v0  }
0x8a: {  	[tilespmem:$0x888] =	vst v0  }
0x8b: {  	[tilespmem:$0x898] =	vst v0  }
0x8c: {  	[tilespmem:$0x8A8] =	vst v0  }
0x8d: {  	[tilespmem:$0x8B8] =	vst v0  }
0x8e: {  	[tilespmem:$0x8C8] =	vst v0  }
0x8f: {  	[tilespmem:$0x8D8] =	vst v0  }
0x90: {  	[tilespmem:$0x8E8] =	vst v0  }
0x91: {  	[tilespmem:$0x8F8] =	vst v0  }
0x92: {  	[tilespmem:$0x908] =	vst v0  }
0x93: {  	[tilespmem:$0x918] =	vst v0  }
0x94: {  	[tilespmem:$0x928] =	vst v0  }
0x95: {  	[tilespmem:$0x938] =	vst v0  }
0x96: {  	[tilespmem:$0x948] =	vst v0  }
0x97: {  	[tilespmem:$0x958] =	vst v0  }
0x98: {  	[tilespmem:$0x968] =	vst v0  }
0x99: {  	[tilespmem:$0x978] =	vst v0  }
0x9a: {  	[tilespmem:$0x988] =	vst v0  }
0x9b: {  	[tilespmem:$0x998] =	vst v0  }
0x9c: {  	[tilespmem:$0x9A8] =	vst v0  }
0x9d: {  	[tilespmem:$0x9B8] =	vst v0  }
0x9e: {  	[tilespmem:$0x9C8] =	vst v0  }
0x9f: {  	[tilespmem:$0x9D8] =	vst v0  }
0xa0: {  	[tilespmem:$0x9E8] =	vst v0  }
0xa1: {  	[tilespmem:$0x9F8] =	vst v0  }
0xa2: {  	[tilespmem:$0xA08] =	vst v0  }
0xa3: {  	[tilespmem:$0xA18] =	vst v0  }
0xa4: {  	[tilespmem:$0xA28] =	vst v0  }
0xa5: {  	[tilespmem:$0xA38] =	vst v0  }
0xa6: {  	[tilespmem:$0xA48] =	vst v0  }
0xa7: {  	[tilespmem:$0xA58] =	vst v0  }
0xa8: {  	[tilespmem:$0xA68] =	vst v0  }
0xa9: {  	[tilespmem:$0xA78] =	vst v0  }
0xaa: {  	[tilespmem:$0xA88] =	vst v0  }
0xab: {  	[tilespmem:$0xA98] =	vst v0  }
0xac: {  	[tilespmem:$0xAA8] =	vst v0  }
0xad: {  	[tilespmem:$0xAB8] =	vst v0  }
0xae: {  	[tilespmem:$0xAC8] =	vst v0  }
0xaf: {  	[tilespmem:$0xAD8] =	vst v0  }
0xb0: {  	[tilespmem:$0xAE8] =	vst v0  }
0xb1: {  	[tilespmem:$0xAF8] =	vst v0  }
0xb2: {  	[tilespmem:$0xB08] =	vst v0  }
0xb3: {  	[tilespmem:$0xB18] =	vst v0  }
0xb4: {  	[tilespmem:$0xB28] =	vst v0  }
0xb5: {  	[tilespmem:$0xB38] =	vst v0  }
0xb6: {  	[tilespmem:$0xB48] =	vst v0  }
0xb7: {  	[tilespmem:$0xB58] =	vst v0  }
0xb8: {  	[tilespmem:$0xB68] =	vst v0  }
0xb9: {  	[tilespmem:$0xB78] =	vst v0  }
0xba: {  	[tilespmem:$0xB88] =	vst v0  }
0xbb: {  	[tilespmem:$0xB98] =	vst v0  }
0xbc: {  	[tilespmem:$0xBA8] =	vst v0  }
0xbd: {  	[tilespmem:$0xBB8] =	vst v0  }
0xbe: {  	[tilespmem:$0xBC8] =	vst v0  }
0xbf: {  	[tilespmem:$0xBD8] =	vst v0  }
0xc0: {  	[tilespmem:$0xBE8] =	vst v0  }
0xc1: {  	[tilespmem:$0xBF8] =	vst v0  }
0xc2: {  	[tilespmem:$0xC08] =	vst v0  }
0xc3: {  	[tilespmem:$0xC18] =	vst v0  }
0xc4: {  	[tilespmem:$0xC28] =	vst v0  }
0xc5: {  	[tilespmem:$0xC38] =	vst v0  }
0xc6: {  	[tilespmem:$0xC48] =	vst v0  }
0xc7: {  	[tilespmem:$0xC58] =	vst v0  }
0xc8: {  	[tilespmem:$0xC68] =	vst v0  }
0xc9: {  	[tilespmem:$0xC78] =	vst v0  }
0xca: {  	[tilespmem:$0xC88] =	vst v0  }
0xcb: {  	[tilespmem:$0xC98] =	vst v0  }
0xcc: {  	[tilespmem:$0xCA8] =	vst v0  }
0xcd: {  	[tilespmem:$0xCB8] =	vst v0  }
0xce: {  	[tilespmem:$0xCC8] =	vst v0  }
0xcf: {  	[tilespmem:$0xCD8] =	vst v0  }
0xd0: {  	[tilespmem:$0xCE8] =	vst v0  }
0xd1: {  	[tilespmem:$0xCF8] =	vst v0  }
0xd2: {  	[tilespmem:$0xD08] =	vst v0  }
0xd3: {  	[tilespmem:$0xD18] =	vst v0  }
0xd4: {  	[tilespmem:$0xD28] =	vst v0  }
0xd5: {  	[tilespmem:$0xD38] =	vst v0  }
0xd6: {  	[tilespmem:$0xD48] =	vst v0  }
0xd7: {  	[tilespmem:$0xD58] =	vst v0  }
0xd8: {  	[tilespmem:$0xD68] =	vst v0  }
0xd9: {  	[tilespmem:$0xD78] =	vst v0  }
0xda: {  	[tilespmem:$0xD88] =	vst v0  }
0xdb: {  	[tilespmem:$0xD98] =	vst v0  }
0xdc: {  	[tilespmem:$0xDA8] =	vst v0  }
0xdd: {  	[tilespmem:$0xDB8] =	vst v0  }
0xde: {  	[tilespmem:$0xDC8] =	vst v0  }
0xdf: {  	[tilespmem:$0xDD8] =	vst v0  }
0xe0: {  	[tilespmem:$0xDE8] =	vst v0  }
0xe1: {  	[tilespmem:$0xDF8] =	vst v0  }
0xe2: {  	[tilespmem:$0xE08] =	vst v0  }
0xe3: {  	[tilespmem:$0xE18] =	vst v0  }
0xe4: {  	[tilespmem:$0xE28] =	vst v0  }
0xe5: {  	[tilespmem:$0xE38] =	vst v0  }
0xe6: {  	[tilespmem:$0xE48] =	vst v0  }
0xe7: {  	[tilespmem:$0xE58] =	vst v0  }
0xe8: {  	[tilespmem:$0xE68] =	vst v0  }
0xe9: {  	[tilespmem:$0xE78] =	vst v0  }
0xea: {  	[tilespmem:$0xE88] =	vst v0  }
0xeb: {  	[tilespmem:$0xE98] =	vst v0  }
0xec: {  	[tilespmem:$0xEA8] =	vst v0  }
0xed: {  	[tilespmem:$0xEB8] =	vst v0  }
0xee: {  	[tilespmem:$0xEC8] =	vst v0  }
0xef: {  	[tilespmem:$0xED8] =	vst v0  }
0xf0: {  	[tilespmem:$0xEE8] =	vst v0  }
0xf1: {  	[tilespmem:$0xEF8] =	vst v0  }
0xf2: {  	[tilespmem:$0xF08] =	vst v0  }
0xf3: {  	[tilespmem:$0xF18] =	vst v0  }
0xf4: {  	[tilespmem:$0xF28] =	vst v0  }
0xf5: {  	[tilespmem:$0xF38] =	vst v0  }
0xf6: {  	[tilespmem:$0xF48] =	vst v0  }
0xf7: {  	[tilespmem:$0xF58] =	vst v0  }
0xf8: {  	[tilespmem:$0xF68] =	vst v0  }
0xf9: {  	[tilespmem:$0xF78] =	vst v0  }
0xfa: {  	[tilespmem:$0xF88] =	vst v0  }
0xfb: {  	[tilespmem:$0xF98] =	vst v0  }
0xfc: {  	[tilespmem:$0xFA8] =	vst v0  }
0xfd: {  	[tilespmem:$0xFB8] =	vst v0  }
0xfe: {  	[tilespmem:$0xFC8] =	vst v0  }
0xff: {  	[tilespmem:$0xFD8] =	vst v0  }
0x100: {  	[tilespmem:$0xFE8] =	vst v0  }
0x101: {  	[tilespmem:$0xFF8] =	vst v0  }
0x102: {  	[tilespmem:$0x1018] =	vst v0  }
0x103: {  	[tilespmem:$0x10D8] =	vst v0  }
0x104: {  	[tilespmem:$0x1B28] =	vst v0  }
0x105: {  	[tilespmem:$0x1B18] =	vst v0  }
0x106: {  	[tilespmem:$0x1B08] =	vst v0  }
0x107: {  	[tilespmem:$0x1AF8] =	vst v0  }
0x108: {  	[tilespmem:$0x1AE8] =	vst v0  }
0x109: {  	[tilespmem:$0x1AD8] =	vst v0  }
0x10a: {  	[tilespmem:$0x1AC8] =	vst v0  }
0x10b: {  	[tilespmem:$0x1AB8] =	vst v0  }
0x10c: {  	[tilespmem:$0x1AA8] =	vst v0  }
0x10d: {  	[tilespmem:$0x1A98] =	vst v0  }
0x10e: {  	[tilespmem:$0x1A88] =	vst v0  }
0x10f: {  	[tilespmem:$0x1A78] =	vst v0  }
0x110: {  	[tilespmem:$0x1A68] =	vst v0  }
0x111: {  	[tilespmem:$0x1A58] =	vst v0  }
0x112: {  	[tilespmem:$0x1A48] =	vst v0  }
0x113: {  	[tilespmem:$0x1A38] =	vst v0  }
0x114: {  	[tilespmem:$0x1A28] =	vst v0  }
0x115: {  	[tilespmem:$0x1A18] =	vst v0  }
0x116: {  	[tilespmem:$0x1A08] =	vst v0  }
0x117: {  	[tilespmem:$0x19F8] =	vst v0  }
0x118: {  	[tilespmem:$0x19E8] =	vst v0  }
0x119: {  	[tilespmem:$0x19D8] =	vst v0  }
0x11a: {  	[tilespmem:$0x19C8] =	vst v0  }
0x11b: {  	[tilespmem:$0x19B8] =	vst v0  }
0x11c: {  	[tilespmem:$0x19A8] =	vst v0  }
0x11d: {  	[tilespmem:$0x1998] =	vst v0  }
0x11e: {  	[tilespmem:$0x1988] =	vst v0  }
0x11f: {  	[tilespmem:$0x1978] =	vst v0  }
0x120: {  	[tilespmem:$0x1968] =	vst v0  }
0x121: {  	[tilespmem:$0x1958] =	vst v0  }
0x122: {  	[tilespmem:$0x1948] =	vst v0  }
0x123: {  	[tilespmem:$0x1938] =	vst v0  }
0x124: {  	[tilespmem:$0x1928] =	vst v0  }
0x125: {  	[tilespmem:$0x1918] =	vst v0  }
0x126: {  	[tilespmem:$0x1908] =	vst v0  }
0x127: {  	[tilespmem:$0x18F8] =	vst v0  }
0x128: {  	[tilespmem:$0x18E8] =	vst v0  }
0x129: {  	[tilespmem:$0x18D8] =	vst v0  }
0x12a: {  	[tilespmem:$0x18C8] =	vst v0  }
0x12b: {  	[tilespmem:$0x18B8] =	vst v0  }
0x12c: {  	[tilespmem:$0x18A8] =	vst v0  }
0x12d: {  	[tilespmem:$0x1898] =	vst v0  }
0x12e: {  	[tilespmem:$0x1888] =	vst v0  }
0x12f: {  	[tilespmem:$0x1878] =	vst v0  }
0x130: {  	[tilespmem:$0x1868] =	vst v0  }
0x131: {  	[tilespmem:$0x1858] =	vst v0  }
0x132: {  	[tilespmem:$0x1848] =	vst v0  }
0x133: {  	[tilespmem:$0x1838] =	vst v0  }
0x134: {  	[tilespmem:$0x1828] =	vst v0  }
0x135: {  	[tilespmem:$0x1818] =	vst v0  }
0x136: {  	[tilespmem:$0x1808] =	vst v0  }
0x137: {  	[tilespmem:$0x17F8] =	vst v0  }
0x138: {  	[tilespmem:$0x17E8] =	vst v0  }
0x139: {  	[tilespmem:$0x17D8] =	vst v0  }
0x13a: {  	[tilespmem:$0x17C8] =	vst v0  }
0x13b: {  	[tilespmem:$0x17B8] =	vst v0  }
0x13c: {  	[tilespmem:$0x17A8] =	vst v0  }
0x13d: {  	[tilespmem:$0x1798] =	vst v0  }
0x13e: {  	[tilespmem:$0x1788] =	vst v0  }
0x13f: {  	[tilespmem:$0x1778] =	vst v0  }
0x140: {  	[tilespmem:$0x1768] =	vst v0  }
0x141: {  	[tilespmem:$0x1758] =	vst v0  }
0x142: {  	[tilespmem:$0x1748] =	vst v0  }
0x143: {  	[tilespmem:$0x1738] =	vst v0  }
0x144: {  	[tilespmem:$0x1728] =	vst v0  }
0x145: {  	[tilespmem:$0x1718] =	vst v0  }
0x146: {  	[tilespmem:$0x1708] =	vst v0  }
0x147: {  	[tilespmem:$0x16F8] =	vst v0  }
0x148: {  	[tilespmem:$0x16E8] =	vst v0  }
0x149: {  	[tilespmem:$0x16D8] =	vst v0  }
0x14a: {  	[tilespmem:$0x16C8] =	vst v0  }
0x14b: {  	[tilespmem:$0x16B8] =	vst v0  }
0x14c: {  	[tilespmem:$0x16A8] =	vst v0  }
0x14d: {  	[tilespmem:$0x1698] =	vst v0  }
0x14e: {  	[tilespmem:$0x1688] =	vst v0  }
0x14f: {  	[tilespmem:$0x1678] =	vst v0  }
0x150: {  	[tilespmem:$0x1668] =	vst v0  }
0x151: {  	[tilespmem:$0x1658] =	vst v0  }
0x152: {  	[tilespmem:$0x1648] =	vst v0  }
0x153: {  	[tilespmem:$0x1638] =	vst v0  }
0x154: {  	[tilespmem:$0x1628] =	vst v0  }
0x155: {  	[tilespmem:$0x1618] =	vst v0  }
0x156: {  	[tilespmem:$0x1608] =	vst v0  }
0x157: {  	[tilespmem:$0x15F8] =	vst v0  }
0x158: {  	[tilespmem:$0x15E8] =	vst v0  }
0x159: {  	[tilespmem:$0x15D8] =	vst v0  }
0x15a: {  	[tilespmem:$0x15C8] =	vst v0  }
0x15b: {  	[tilespmem:$0x15B8] =	vst v0  }
0x15c: {  	[tilespmem:$0x15A8] =	vst v0  }
0x15d: {  	[tilespmem:$0x1598] =	vst v0  }
0x15e: {  	[tilespmem:$0x1588] =	vst v0  }
0x15f: {  	[tilespmem:$0x1578] =	vst v0  }
0x160: {  	[tilespmem:$0x1568] =	vst v0  }
0x161: {  	[tilespmem:$0x1558] =	vst v0  }
0x162: {  	[tilespmem:$0x1548] =	vst v0  }
0x163: {  	[tilespmem:$0x1538] =	vst v0  }
0x164: {  	[tilespmem:$0x1528] =	vst v0  }
0x165: {  	[tilespmem:$0x1518] =	vst v0  }
0x166: {  	[tilespmem:$0x1508] =	vst v0  }
0x167: {  	[tilespmem:$0x14F8] =	vst v0  }
0x168: {  	[tilespmem:$0x14E8] =	vst v0  }
0x169: {  	[tilespmem:$0x14D8] =	vst v0  }
0x16a: {  	[tilespmem:$0x14C8] =	vst v0  }
0x16b: {  	[tilespmem:$0x14B8] =	vst v0  }
0x16c: {  	[tilespmem:$0x14A8] =	vst v0  }
0x16d: {  	[tilespmem:$0x1498] =	vst v0  }
0x16e: {  	[tilespmem:$0x1488] =	vst v0  }
0x16f: {  	[tilespmem:$0x1478] =	vst v0  }
0x170: {  	[tilespmem:$0x1468] =	vst v0  }
0x171: {  	[tilespmem:$0x1458] =	vst v0  }
0x172: {  	[tilespmem:$0x1448] =	vst v0  }
0x173: {  	[tilespmem:$0x1438] =	vst v0  }
0x174: {  	[tilespmem:$0x1428] =	vst v0  }
0x175: {  	[tilespmem:$0x1418] =	vst v0  }
0x176: {  	[tilespmem:$0x1408] =	vst v0  }
0x177: {  	[tilespmem:$0x13F8] =	vst v0  }
0x178: {  	[tilespmem:$0x13E8] =	vst v0  }
0x179: {  	[tilespmem:$0x13D8] =	vst v0  }
0x17a: {  	[tilespmem:$0x13C8] =	vst v0  }
0x17b: {  	[tilespmem:$0x13B8] =	vst v0  }
0x17c: {  	[tilespmem:$0x13A8] =	vst v0  }
0x17d: {  	[tilespmem:$0x1398] =	vst v0  }
0x17e: {  	[tilespmem:$0x1388] =	vst v0  }
0x17f: {  	[tilespmem:$0x1378] =	vst v0  }
0x180: {  	[tilespmem:$0x1368] =	vst v0  }
0x181: {  	[tilespmem:$0x1358] =	vst v0  }
0x182: {  	[tilespmem:$0x1348] =	vst v0  }
0x183: {  	[tilespmem:$0x1338] =	vst v0  }
0x184: {  	[tilespmem:$0x1328] =	vst v0  }
0x185: {  	[tilespmem:$0x1318] =	vst v0  }
0x186: {  	[tilespmem:$0x1308] =	vst v0  }
0x187: {  	[tilespmem:$0x12F8] =	vst v0  }
0x188: {  	[tilespmem:$0x12E8] =	vst v0  }
0x189: {  	[tilespmem:$0x12D8] =	vst v0  }
0x18a: {  	[tilespmem:$0x12C8] =	vst v0  }
0x18b: {  	[tilespmem:$0x12B8] =	vst v0  }
0x18c: {  	[tilespmem:$0x12A8] =	vst v0  }
0x18d: {  	[tilespmem:$0x1298] =	vst v0  }
0x18e: {  	[tilespmem:$0x1288] =	vst v0  }
0x18f: {  	[tilespmem:$0x1278] =	vst v0  }
0x190: {  	[tilespmem:$0x1268] =	vst v0  }
0x191: {  	[tilespmem:$0x1258] =	vst v0  }
0x192: {  	[tilespmem:$0x1248] =	vst v0  }
0x193: {  	[tilespmem:$0x1238] =	vst v0  }
0x194: {  	[tilespmem:$0x1228] =	vst v0  }
0x195: {  	[tilespmem:$0x1218] =	vst v0  }
0x196: {  	[tilespmem:$0x1208] =	vst v0  }
0x197: {  	[tilespmem:$0x11F8] =	vst v0  }
0x198: {  	[tilespmem:$0x11E8] =	vst v0  }
0x199: {  	[tilespmem:$0x11D8] =	vst v0  }
0x19a: {  	[tilespmem:$0x11C8] =	vst v0  }
0x19b: {  	[tilespmem:$0x11B8] =	vst v0  }
0x19c: {  	[tilespmem:$0x11A8] =	vst v0  }
0x19d: {  	[tilespmem:$0x1198] =	vst v0  }
0x19e: {  	[tilespmem:$0x1188] =	vst v0  }
0x19f: {  	[tilespmem:$0x1178] =	vst v0  }
0x1a0: {  	[tilespmem:$0x1168] =	vst v0  }
0x1a1: {  	[tilespmem:$0x1158] =	vst v0  }
0x1a2: {  	[tilespmem:$0x1148] =	vst v0  }
0x1a3: {  	[tilespmem:$0x1138] =	vst v0  }
0x1a4: {  	[tilespmem:$0x1128] =	vst v0  }
0x1a5: {  	[tilespmem:$0x1118] =	vst v0  }
0x1a6: {  	s4 =	stileid.u32;
	[tilespmem:$0x1108] =	vst v0  }
0x1a7: {  	s0 =	smin.u32 s4, $0x3;
	[tilespmem:$0x10F8] =	vst v0  }
0x1a8: {  	[tilespmem:$0x10E8] =	vst v0;
	s0 =	sadd.s32 s4, s0  }
0x1a9: {  	s1 =	simm.s32 $0x1B0;
	p0 =	sgt.u32 s4, $0x2;
	[tilespmem:$0x10C8] =	vst v0;
	s6 =	smul.u32 $0x1B0, s0  }
0x1aa: {  	s1 =	simm.s32 @!p0 $0x360;
	[tilespmem:$0x1038] =	vst v0  }
0x1ab: {  	[tilespmem:$0x10B8] =	vst v0;
	s0 =	sadd.s32 s1, s6  }
0x1ac: {  	[tilespmem:$0x10A8] =	vst v0;
	s7 =	smin.u32 s0, $0x2000  }
0x1ad: {  	[tilespmem:$0x1098] =	vst v0;
	s0 =	ssub.s32 s7, s6  }
0x1ae: {  	s3 =	simm.s32 $0x2;
	s8 =	simm.s32 $0x9;
	[tilespmem:$0x1088] =	vst v0;
	p0 =	sgt.s32 s0, $0x0  }
0x1af: {  	s10 =	simm.s32 $0xA;
	s30 =	simm.s32 $0xB;
	[tilespmem:$0x1078] =	vst v0;
	s0 =	simm.s32 @!p0 $0x0  }
0x1b0: {  	s16 =	simm.s32 $0x0;
	p4 =	por $0x0, $0x0;
	[tilespmem:$0x1068] =	vst v0;
	s29 =	sand.u32 $0xFFF0, s0  }
0x1b1: {  	s17 =	simm.s32 $0xC;
	s21 =	simm.s32 $0x0;
	[tilespmem:$0x1058] =	vst v0;
	s1 =	sshrl.u32 s29, $0x4  }
0x1b2: {  	s18 =	simm.s32 $0x0;
	s2 =	sand.u32 $0x1, s2;
	[tilespmem:$0x1048] =	vst v0;
	s1 =	smul.u32 $0x12F7, s1  }
0x1b3: {  	s20 =	simm.s32 $0x0;
	s31 =	sshll.u32 s4, $0x5;
	[dreg:$0x5] =	wrdreg s2;
	[tilespmem:$0x1028] =	vst v0  }
0x1b4: {  	[tilespmem:$0x1008] =	vst v0;
	s2 =	sshll.u32 s2, $0xA;
	[sflag:s3] =	ssyncpa.u1 $0x0;
	s1 =	sshrl.u32 s1, $0x11  }
0x1b5: {  	v0 =	vimm.s32 $0xFFFFFFFF;
	s3 =	sadd.s32 $0x45400, s11;
	[dreg:$0x4] =	wrdreg s31;
	s5 =	smul.u32 $0x1B0, s1  }
.Ltmp0:
0x1b6: {  	s2 =	sadd.s32 s2, s11;
	[tilespmem:$0x3648] =	vst v0;
	[sflag:s8] =	ssyncpa.u1 $0x0;
	(pc) =	sbr.rel .LBB2_1-.Ltmp0, $4  }
0x1b7: {  	s11 =	sadd.s32 $0x4400, s11;
	[sflag:s10] =	ssyncpa.u1 $0x0;
	p0 =	sne.s32 s0, s5  }
0x1b8: {  	s14 =	sadd.s32 $0x44C00, s2;
	s15 =	sadd.s32 $0x44400, s2;
	s12 =	simm.s32 @!p0 $0x0  }
0x1b9: {  	[sflag:s30] =	ssyncpa.u1 $0x0;
	s19 =	smov.u32 s6;
	s12 =	sadd.s32 s1, s12  }
0x1ba: {  	v0 =	vlaneseq.u32;
	[dreg:$0x6] =	wrdreg s6;
	p0 =	por $0x1, $0x1;
	s4 =	sadd.s32 $0x1, s12  }
.LBB2_18:
0x1bb: {  	s0 =	simm.s32 $0x2  }
0x1bc: {  	_ =	swait.ge [sflag:s0], $0x0  }
0x1bd: {  	[sflag:s0] =	ssyncset.done $0x0;
	s0 =	simm.s32 $0x0  }
.LBB2_19:
0x1be: {  	_ =	swait.ge [sflag:s17], s0  }
0x1bf: {  	s31 =	ssub.s32 $0x0, s0;
	v1 =	vmov s23;
	vm0 =	veq.s32 v0, $0x0;
	[sflag:s17] =	ssyncset.done $0x0  }
0x1c0: {  	vm15 =	veq.s32 v0, $0x2;
	v1 =	vsel vm0, s29, v1;
	[sflag:s17] =	ssyncadd.s32 s31  }
0x1c1: {  	v1 =	vsel vm15, s21, v1;
	[sflag:s17] =	ssyncpa.u1 $0x1  }
0x1c2: {  	[tilespmem:$0x3648] =	vst v1  }
.LBB2_20:
0x1c3: {  	s0 =	sadd.s32 $0x1B0, s19  }
0x1c4: {  	s1 =	smov.u32 s6;
	p1 =	slt.s32 s0, s7  }
0x1c5: {  	s1 =	smov.u32 @p1 s0;
	p1 =	sne.s32 s20, s4  }
.Ltmp1:
0x1c6: {  	_ = 	snop;
	(pc) =	sbr.rel @!p1 .LBB2_21-.Ltmp1, $4  }
0x1c7: {  	_ = 	snop  }
0x1c8: {  	s21 =	smov.u32 s18  }
0x1c9: {  	s31 =	sadd.s32 $0x1, s20;
	s18 =	smov.u32 s19;
	p0 =	por !p0, !p0  }
0x1ca: {  	p4 =	por !p4, !p4;
	s20 =	smov.u32 s31;
	s19 =	smov.u32 s1  }
.LBB2_1:
0x1cb: {  	p2 =	sge.u32 s20, s12  }
0x1cc: {  	s0 =	smulhi.u32 @!p2 $0xAAAAAAAB, s20  }
0x1cd: {  	s1 =	smov.u32 s19;
	p3 =	sgt.s32 @!p2 s19, $0x1E50  }
0x1ce: {  	s2 =	sshra.s32 @!p2 s19, $0x1F;
	p3 =	por !p3, p2;
	s0 =	sshrl.u32 @!p2 s0, $0x1  }
0x1cf: {  	s2 =	sand.u32 @!p2 s2, s19;
	s1 =	simm.s32 @p3 $0x1E50;
	s0 =	smul.u32 @!p2 $0x3, s0  }
0x1d0: {  	s1 =	ssub.s32 @!p2 s1, s2  }
0x1d1: {  	s23 =	sadd.s32 $0xFFFFFFFF, s20;
	s1 =	sadd.s32 @!p2 $0xFFFFE1B0, s1;
	s0 =	ssub.s32 @!p2 s20, s0  }
0x1d2: {  	s2 =	sshll.u32 @!p2 s1, $0x2;
	p3 =	sgt.s32 @!p2 s1, $0x1AF;
	s0 =	smul.u32 @!p2 $0x6C0, s0  }
0x1d3: {  	s5 =	sand.u32 @!p2 $0x7, s19;
	s1 =	ssub.s32 @!p2 $0x6C0, s2;
	p3 =	por !p3, p2  }
0x1d4: {  	s2 =	sshrl.u32 @!p2 s19, $0x3;
	s1 =	sshrl.u32 @!p2 s1, $0x2;
	s0 =	sshrl.u32 @!p2 s0, $0x2  }
0x1d5: {  	s2 =	sadd.s32 @!p2 s2, s14;
	s1 =	simm.s32 @!p3 $0x0;
	s0 =	sadd.s32 @!p2 $0x3888, s0  }
0x1d6: {  	[tilespmem:s0], [sflag:$0xA] =	stream.linear.gather @!p2 [hbm4b:s2+s5], s1, $0x38;
	[tilespmem:$0x1F0F8] =	vst v63  }
0x1d7: {  	p2 =	sge.u32 s23, s12  }
0x1d8: {  	p3 =	sgt.s32 @!p2 s18, $0x1E50  }
0x1d9: {  	s0 =	smov.u32 s18;
	s1 =	sshra.s32 @!p2 s18, $0x1F;
	p3 =	por !p3, p2  }
0x1da: {  	s1 =	sand.u32 @!p2 s1, s18;
	s0 =	simm.s32 @p3 $0x1E50  }
0x1db: {  	s0 =	ssub.s32 @!p2 s0, s1  }
0x1dc: {  	s0 =	sadd.s32 @!p2 $0xFFFFE1B0, s0  }
0x1dd: {  	s1 =	sshll.u32 @!p2 s0, $0x2  }
0x1de: {  	p3 =	sgt.s32 @!p2 s0, $0x1AF;
	s0 =	ssub.s32 @!p2 $0x6C0, s1  }
0x1df: {  	s22 =	ssub.s32 @!p2 $0x2000, s18;
	p3 =	por !p3, p2;
	s0 =	sshrl.u32 @!p2 s0, $0x2  }
0x1e0: {  	s1 =	sand.u32 @!p2 $0x1, s23;
	s0 =	simm.s32 @!p3 $0x0;
	p3 =	slt.s32 @!p2 s22, $0x1  }
0x1e1: {  	s2 =	simm.s32 @!p2 $0xA;
	s1 =	smul.u32 @!p2 $0x6C0, s1;
	p3 =	por p2, p3  }
.Ltmp2:
0x1e2: {  	_ =	swait.ge @!p2 [sflag:s2], s0;
	(pc) =	sbr.rel @p3 .LBB2_7-.Ltmp2, $4  }
0x1e3: {  	s5 =	ssub.s32 @!p2 $0x0, s0;
	[sflag:s2] =	ssyncset.done @!p2 $0x0  }
0x1e4: {  	s1 =	sshrl.u32 @!p2 s1, $0x2;
	[sflag:s2] =	ssyncadd.s32 @!p2 s5;
	s2 =	sshrl.u32 @!p2 s18, $0x3  }
0x1e5: {  	s1 =	sadd.s32 @!p2 $0x3D98, s1;
	s5 =	sand.u32 @!p2 $0x7, s18;
	s2 =	sadd.s32 @!p2 s2, s15  }
0x1e6: {  	[tilespmem:s1], [sflag:$0xB] =	stream.linear.gather @!p2 [hbm4b:s2+s5], s0, $0x38;
	[tilespmem:$0x1F0F8] =	vst v63  }
0x1e7: {  	s0 =	smulhi.u32 $0xAAAAAAAB, s23;
	_ =	sdelay $0x1  }
0x1e8: {  	s0 =	sshrl.u32 s0, $0x1  }
0x1e9: {  	s0 =	smul.u32 $0x3, s0;
	_ =	sdelay $0x1  }
0x1ea: {  	s0 =	ssub.s32 s23, s0  }
0x1eb: {  	s1 =	simm.s32 $0x1;
	s0 =	smul.u32 $0x6C0, s0  }
.Ltmp3:
0x1ec: {  	s1 =	simm.s32 @!p0 $0x0;
	(pc) =	sbr.rel .LBB2_4-.Ltmp3, $4  }
0x1ed: {  	s1 =	smul.u32 $0x36000, s1  }
0x1ee: {  	p3 =	slt.s32 @!p2 s22, $0x1B0;
	s0 =	sshrl.u32 s0, $0x2  }
0x1ef: {  	p2 =	por !p3, p2;
	s1 =	sshrl.u32 s1, $0x2;
	s0 =	sadd.s32 $0x3888, s0  }
0x1f0: {  	s24 =	simm.s32 $0x0;
	s22 =	simm.s32 @p2 $0x1B0;
	s23 =	sadd.s32 $0x40F8, s1;
	v1 =	vmov s0  }
.LBB2_3:
0x1f1: {  	p2 =	sge.s32 s24, s22  }
.Ltmp4:
0x1f2: {  	_ = 	snop;
	(pc) =	sbr.rel @p2 .LBB2_7-.Ltmp4, $2  }
0x1f3: {  	_ =	sdelay $0x2  }
0x1f4: {  	s23 =	sadd.s32 $0x800, s23  }
.LBB2_4:
0x1f5: {  	p2 =	sle.s32 s22, s24  }
.Ltmp5:
0x1f6: {  	_ = 	snop;
	(pc) =	sbr.rel @p2 .LBB2_3-.Ltmp5, $2  }
0x1f7: {  	_ =	sdelay $0x2  }
0x1f8: {  	s0 =	smov.u32 s24;
	s24 =	sadd.s32 $0x10, s24  }
0x1f9: {  	s1 =	ssub.s32 s22, s0  }
0x1fa: {  	p2 =	slt.s32 s1, $0x10  }
0x1fb: {  	s1 =	simm.s32 @!p2 $0x10  }
0x1fc: {  	v2 =	vmov s1  }
0x1fd: {  	vm0 =	vgt.s32 v2, v0;
	_ =	sdelay $0x5  }
0x1fe: {  	v2 =	vld.idx.msk [tilespmem:v1+s0+$0x0 ss:$0x1], vm0;
	_ =	sdelay $0x2  }
0x1ff: {  	p2 =	slt.s32 s24, s22;
	s1 =	smov.u32 s22  }
0x200: {  	s2 =	smov.u32 s23;
	s25 =	simm.s32 $0x0;
	s1 =	smov.u32 @p2 s24  }
.LBB2_6:
0x201: {  	(v2sf) =	vpush v2, s25;
	_ =	sdelay $0xc  }
0x202: {  	s25 =	sadd.s32 $0x1, s25  }
0x203: {  	s31 =	sadd.s32 s25, s0  }
0x204: {  	p2 =	slt.s32 s31, s1;
	s5 =	spop (v2sf)  }
.Ltmp6:
0x205: {  	s5 =	sshll.u32 s5, $0x4;
	(pc) =	sbr.rel @p2 .LBB2_6-.Ltmp6, $4  }
0x206: {  	s5 =	sand.u32 $0x1FFFFFF0, s5  }
0x207: {  	s5 =	sadd.s32 s11, s5  }
0x208: {  	[tilespmem:s2], [sflag:$0x9] =	stream.linear.gather [hbm4b:s5+s16], $0x4, $0x38;
	[tilespmem:$0x1F0F8] =	vst v63  }
0x209: {  	s2 =	sadd.s32 $0x80, s2  }
.Ltmp7:
0x20a: {  	_ = 	snop;
	(pc) =	sbr.rel .LBB2_3-.Ltmp7, $1  }
0x20b: {  	_ =	sdelay $0x3  }
.LBB2_7:
0x20c: {  	p2 =	slt.u32 s20, $0x2  }
.Ltmp8:
0x20d: {  	_ = 	snop;
	(pc) =	sbr.rel @p2 .LBB2_20-.Ltmp8, $1  }
0x20e: {  	_ =	sdelay $0x3  }
0x20f: {  	p2 =	sgt.s32 s21, $0x1E50  }
0x210: {  	s0 =	smov.u32 s21;
	s1 =	sshra.s32 s21, $0x1F;
	s2 =	ssub.s32 $0x2000, s21  }
0x211: {  	s0 =	simm.s32 @!p2 $0x1E50;
	s1 =	sand.u32 s1, s21;
	p2 =	slt.s32 s2, $0x1B0  }
0x212: {  	s0 =	ssub.s32 s0, s1;
	s2 =	simm.s32 @!p2 $0x1B0  }
0x213: {  	s0 =	sadd.s32 $0xFFFFE1B0, s0;
	s24 =	sshll.u32 s2, $0x2  }
0x214: {  	s29 =	simm.s32 $0x9;
	s25 =	sshll.u32 s0, $0x2;
	s1 =	sand.u32 $0x3FFFFFFC, s24  }
0x215: {  	p2 =	sgt.s32 s0, $0x1AF;
	s26 =	ssub.s32 $0x6C0, s25;
	_ =	swait.ge [sflag:s29], s1  }
0x216: {  	s1 =	ssub.s32 $0x0, s1;
	[sflag:s29] =	ssyncset.done $0x0;
	s0 =	sshrl.u32 s26, $0x2  }
0x217: {  	s30 =	simm.s32 $0xB;
	[sflag:s29] =	ssyncadd.s32 s1;
	s0 =	simm.s32 @p2 $0x0  }
0x218: {  	_ =	swait.ge [sflag:s30], s0  }
0x219: {  	s0 =	ssub.s32 $0x0, s0;
	[sflag:s30] =	ssyncset.done $0x0  }
0x21a: {  	[sflag:s30] =	ssyncadd.s32 s0  }
0x21b: {  	v1 =	vld [tilespmem:$0x3648];
	_ =	sdelay $0x4  }
0x21c: {  	(v2sf) =	vpush v1, $0x0  }
0x21d: {  	(v2sf) =	vpush v1, $0x1  }
0x21e: {  	(v2sf) =	vpush v1, $0x2;
	_ =	sdelay $0x3  }
0x21f: {  	s0 =	sadd.s32 $0x1B0, s21  }
0x220: {  	s1 =	ssub.s32 $0x4000, s21;
	p2 =	slt.s32 s7, s0  }
0x221: {  	s0 =	smov.u32 @p2 s7;
	p2 =	sgt.s32 s1, $0x0  }
0x222: {  	s26 =	ssub.s32 s0, s21;
	s1 =	simm.s32 @!p2 $0x0  }
0x223: {  	p2 =	slt.s32 s1, s26  }
0x224: {  	s26 =	smov.u32 @p2 s1  }
0x225: {  	s24 =	simm.s32 $0x1;
	p2 =	slt.s32 s26, $0x1  }
.Ltmp9:
0x226: {  	s24 =	simm.s32 @!p4 $0x0;
	(pc) =	sbr.rel @p2 .LBB2_12-.Ltmp9, $4  }
0x227: {  	s31 =	smul.u32 $0x6C0, s24  }
0x228: {  	s25 =	spop (v2sf)  }
0x229: {  	s0 =	sshrl.u32 s31, $0x2;
	s28 =	spop (v2sf)  }
0x22a: {  	s22 =	sadd.s32 $0x3D98, s0;
	s21 =	spop (v2sf)  }
0x22b: {  	s0 =	smin.u32 s26, $0x10  }
0x22c: {  	v1 =	vmov s0  }
0x22d: {  	p3 =	sgt.s32 s26, $0x10;
	vm1 =	vgt.u32 v1, v0  }
.Ltmp10:
0x22e: {  	_ = 	snop;
	(pc) =	sbr.rel @!p3 .LBB2_11-.Ltmp10, $2  }
0x22f: {  	_ =	sdelay $0x2  }
0x230: {  	s23 =	simm.s32 $0x10;
	s29 =	sadd.s32 $0xFFFFFFF0, s26;
	s0 =	smov.u32 s22;
	vm0 =	vmmov vm1  }
.LBB2_10:
0x231: {  	s1 =	smin.u32 s29, $0x10;
	s23 =	sadd.s32 $0x10, s23;
	v1 =	vld.msk [tilespmem:s0+$0x0 ss:$0x1], vm1  }
0x232: {  	v2 =	vmov s1;
	p3 =	slt.s32 s23, s26  }
0x233: {  	vm1 =	vgt.u32 v2, v0  }
.Ltmp11:
0x234: {  	(pc) =	sbr.rel @p3 .LBB2_10-.Ltmp11, $3  }
0x235: {  	_ =	sdelay $0x1  }
0x236: {  	v1 =	vshll.u32 v1, $0x4  }
0x237: {  	s29 =	sadd.s32 $0xFFFFFFF0, s29;
	[tilespmem:s0+$0x0] =	vst.msk vm0, v1;
	s0 =	sadd.s32 $0x10, s0;
	vm0 =	vmmov vm1  }
.LBB2_11:
0x238: {  	_ =	sdelay $0x4  }
0x239: {  	v1 =	vld.msk [tilespmem:s0+$0x0 ss:$0x1], vm1;
	_ =	sdelay $0x4  }
0x23a: {  	v1 =	vshll.u32 v1, $0x4  }
0x23b: {  	[tilespmem:s0+$0x0] =	vst.msk vm0, v1  }
.LBB2_12:
0x23c: {  	s0 =	sand.u32 $0x1, s20  }
0x23d: {  	s0 =	smul.u32 $0x1B0, s0  }
0x23e: {  	p3 =	sne.s32 s28, $0xFFFFFFFF  }
0x23f: {  	v1 =	vld.msk @!p3 [tilespmem:s0+$0x3D98], $0x1;
	_ =	sdelay $0x4  }
0x240: {  	(v2sf) =	vpush @!p3 v1, $0x0;
	_ =	sdelay $0xc  }
.Ltmp12:
0x241: {  	_ = 	snop;
	(pc) =	sbr.rel @p2 .LBB2_18-.Ltmp12, $4  }
0x242: {  	_ = 	snop  }
0x243: {  	s29 =	spop @!p3 (v2sf)  }
0x244: {  	s21 =	simm.s32 @!p3 $0x0;
	s23 =	smov.u32 s29  }
0x245: {  	[sflag:s17] =	ssyncpa.u1 $0x0;
	s29 =	smov.u32 @p3 s25;
	s23 =	smov.u32 @p3 s28  }
0x246: {  	v1 =	vld.msk [tilespmem:s22+$0x0], $0x1;
	_ =	sdelay $0x4  }
0x247: {  	(v2sf) =	vpush v1, $0x0;
	_ =	sdelay $0xe  }
0x248: {  	s31 =	spop (v2sf)  }
0x249: {  	p2 =	seq.s32 s29, s31  }
0x24a: {  	s0 =	simm.s32 @!p4 $0x0;
	p3 =	sgt.s32 @!p2 s29, $0x0  }
0x24b: {  	s1 =	smov.u32 s29;
	s28 =	sadd.s32 $0xFFFFFFFF, s26;
	p3 =	por !p3, p2  }
0x24c: {  	s25 =	smul.u32 $0x36000, s24;
	s1 =	simm.s32 @p3 $0x0;
	p3 =	sne.s32 s28, $0x0  }
.Ltmp13:
0x24d: {  	s6 =	smov.u32 s4;
	s0 =	simm.s32 @p4 $0x1;
	(pc) =	sbr.rel @!p3 .LBB2_15-.Ltmp13, $4  }
0x24e: {  	[smem:$0x7FD] =	sst s0;
	s0 =	sshrl.u32 s25, $0x2;
	s25 =	simm.s32 $0x0  }
0x24f: {  	s24 =	sadd.s32 $0x40F8, s0;
	s0 =	simm.s32 @!p2 $0x1;
	s2 =	smin.u32 @!p2 s1, $0x1FFF  }
0x250: {  	s30 =	sadd.s32 $0x1, s22;
	s0 =	smov.u32 @p2 s25;
	s5 =	sand.u32 @!p2 $0x1FF8, s2  }
0x251: {  	s1 =	simm.s32 @!p2 $0x1B38;
	s2 =	sand.u32 @!p2 $0x7, s2;
	s5 =	sadd.s32 @!p2 s3, s5  }
.LBB2_14:
0x252: {  	s4 =	smov.u32 s0  }
0x253: {  	[tilespmem:s1], [sflag:$0x2] =	stream.linear.gather @!p2 [hbm4b:s5+s2], $0x4, $0x38;
	[tilespmem:$0x1F0F8] =	vst v63  }
0x254: {  	s28 =	sadd.s32 $0xFFFFFFFF, s28;
	s2 =	smov.u32 s31;
	v1 =	vld.msk [tilespmem:s30+$0x0], $0x1  }
0x255: {  	p3 =	sne.s32 s28, $0x0;
	_ =	sdelay $0x3  }
0x256: {  	(v2sf) =	vpush v1, $0x0;
	_ =	sdelay $0xe  }
0x257: {  	s31 =	spop (v2sf)  }
0x258: {  	p2 =	seq.s32 s2, s31  }
0x259: {  	p4 =	sgt.s32 @!p2 s2, $0x0;
	s1 =	sshll.u32 @!p2 s0, $0x6;
	s0 =	sadd.s32 @!p2 $0x1, s0  }
.Ltmp14:
0x25a: {  	p4 =	por !p4, p2;
	s1 =	sshra.s32 @!p2 s1, $0x2;
	(pc) =	sbr.rel @p3 .LBB2_14-.Ltmp14, $4  }
0x25b: {  	s0 =	smov.u32 @p2 s4;
	s2 =	simm.s32 @p4 $0x0;
	s1 =	sadd.s32 @!p2 $0x1B38, s1  }
0x25c: {  	s2 =	smin.u32 @!p2 s2, $0x1FFF  }
0x25d: {  	s4 =	sand.u32 @!p2 $0x1FF8, s2;
	s2 =	sand.u32 @!p2 $0x7, s2  }
0x25e: {  	s30 =	sadd.s32 $0x1, s30;
	s5 =	sadd.s32 @!p2 s3, s4  }
.LBB2_15:
0x25f: {  	[tilespmem:s1], [sflag:$0x2] =	stream.linear.gather @!p2 [hbm4b:s5+s2], $0x4, $0x38;
	[tilespmem:$0x1F0F8] =	vst v63  }
0x260: {  	s0 =	sshll.u32 s0, $0x2  }
0x261: {  	s31 =	simm.s32 $0x2;
	s0 =	sand.u32 $0x3FFFFFFC, s0  }
0x262: {  	_ =	swait.ge [sflag:s31], s0  }
0x263: {  	s0 =	ssub.s32 $0x0, s0;
	[sflag:s31] =	ssyncset.done $0x0  }
0x264: {  	[sflag:s31] =	ssyncadd.s32 s0  }
0x265: {  	v1 =	vld.msk [tilespmem:s22+$0x0], $0x1;
	_ =	sdelay $0x4  }
0x266: {  	(v2sf) =	vpush v1, $0x0;
	_ =	sdelay $0xe  }
0x267: {  	s28 =	spop (v2sf)  }
0x268: {  	p2 =	sne.s32 s29, s28  }
0x269: {  	p4 =	sne.s32 @p2 s29, s23  }
0x26a: {  	p3 =	por !p4, !p2  }
0x26b: {  	s0 =	simm.s32 @!p3 $0x0  }
0x26c: {  	v1 =	vld.msk @!p3 [tilespmem:s0+$0x1B38], $0xf  }
0x26d: {  	p5 =	sgt.u32 @!p3 s29, $0x1FFF  }
0x26e: {  	s1 =	sshll.u32 @!p3 s21, $0x6;
	p6 =	por @p2 p5, !p4  }
0x26f: {  	s1 =	sshra.s32 @!p3 s1, $0x2;
	p1 =	por p6, !p2;
	p6 =	por p4, !p2  }
0x270: {  	s2 =	sadd.s32 @!p3 $0x28, s1;
	s4 =	sand.u32 @!p1 $0x1FF8, s29;
	s5 =	sshll.u32 @!p6 s21, $0x6  }
0x271: {  	s29 =	sand.u32 @!p1 $0x7, s29;
	[tilespmem:s1+$0x28] =	vst.add.f32.msk @!p3 $0xf, v1;
	s1 =	sadd.s32 @!p1 s3, s4;
	s4 =	sshra.s32 @!p6 s5, $0x2  }
0x272: {  	[hbm4b:s1+s29] =	stream.linear.scatter @!p1 [tilespmem:s2], [sflag:$0xC], $0x4, $0x38;
	[tilespmem:$0x1F0F8] =	vst v63  }
0x273: {  	s0 =	rddreg [dreg:$0x4];
	s1 =	sadd.s32 @!p6 $0x28, s4;
	s2 =	simm.s32 @!p6 $0x1  }
0x274: {  	[spmem:s0] =	stream.linear.scatter @!p6 [tilespmem:s1], [sflag:$0x1], $0x4, $0x38;
	[tilespmem:$0x1F0F8] =	vst v63  }
0x275: {  	s0 =	sadd.s32 @p2 $0x1, s21;
	_ =	swait.ge @!p6 [sflag:s2], $0x4  }
0x276: {  	s1 =	sshrl.u32 @p2 s0, $0x4;
	[sflag:s2] =	ssyncset.done @!p6 $0x0  }
0x277: {  	s1 =	smulhi.u32 @p2 $0x97B425F, s1;
	[sflag:s2] =	ssyncadd.s32 @!p6 $0xFFFFFFFC  }
0x278: {  	s26 =	sadd.s32 $0xFFFFFFFF, s26;
	v1 =	vld.msk @p2 [tilespmem:s24+$0x0], $0xf  }
0x279: {  	p1 =	por @p2 !p5, !p4;
	p4 =	sne.s32 s26, $0x0;
	s1 =	smul.u32 @p2 $0x1B0, s1  }
.Ltmp15:
0x27a: {  	p1 =	por !p1, !p2;
	s2 =	simm.s32 @!p3 $0x0;
	(pc) =	sbr.rel @!p4 .LBB2_17-.Ltmp15, $4  }
0x27b: {  	s4 =	sshll.u32 @!p2 s21, $0x6;
	s2 =	simm.s32 @!p1 $0x10;
	s0 =	ssub.s32 @p2 s0, s1  }
0x27c: {  	s29 =	simm.s32 $0x0;
	s2 =	sadd.s32 @!p3 $0x0, s2;
	s5 =	sshll.u32 @p2 s0, $0x4  }
0x27d: {  	s30 =	sshra.s32 @!p2 s4, $0x2;
	s1 =	simm.s32 @p2 $0x1;
	s2 =	smov.u32 @p3 s25;
	[tilespmem:s5+$0x28] =	vst.msk @p2 $0xf, v1  }
0x27e: {  	s21 =	smov.u32 @p2 s0;
	s29 =	smov.u32 @p2 s2;
	s25 =	smov.u32 @p2 s1;
	v1 =	vld.msk @!p2 [tilespmem:s24+$0x0], $0xf  }
.LBB2_16:
0x27f: {  	_ =	sdelay $0x3  }
0x280: {  	s22 =	sadd.s32 $0x1, s22;
	[tilespmem:s30+$0x28] =	vst.add.f32.msk @!p2 $0xf, v1  }
0x281: {  	v1 =	vld.msk [tilespmem:s22+$0x0], $0x1;
	_ =	sdelay $0x4  }
0x282: {  	(v2sf) =	vpush v1, $0x0;
	_ =	sdelay $0xe  }
0x283: {  	s0 =	smov.u32 s28;
	s28 =	spop (v2sf)  }
0x284: {  	p2 =	sne.s32 s0, s28  }
0x285: {  	p5 =	sne.s32 @p2 s0, s23  }
0x286: {  	s4 =	sshll.u32 @!p2 s21, $0x6;
	p4 =	por !p5, !p2  }
0x287: {  	s30 =	sshra.s32 @!p2 s4, $0x2;
	s4 =	sshll.u32 @!p4 s25, $0x6  }
0x288: {  	s4 =	sshra.s32 @!p4 s4, $0x2  }
0x289: {  	p1 =	sgt.u32 @!p4 s0, $0x1FFF;
	v1 =	vld.msk @!p4 [tilespmem:s4+$0x1B38], $0xf  }
0x28a: {  	s31 =	sshll.u32 @!p4 s21, $0x6;
	p6 =	por @p2 p1, !p5;
	p1 =	por @p2 !p1, !p5  }
0x28b: {  	s8 =	simm.s32 @!p4 $0x0;
	s31 =	sshra.s32 @!p4 s31, $0x2;
	p1 =	por !p1, !p2  }
0x28c: {  	p5 =	por p5, !p2;
	s8 =	simm.s32 @!p1 $0x10;
	p1 =	por p6, !p2  }
0x28d: {  	s4 =	sadd.s32 @!p4 $0x28, s31;
	s13 =	sshll.u32 @!p5 s21, $0x6;
	s10 =	sand.u32 @!p1 $0x1FF8, s0  }
0x28e: {  	s13 =	sshra.s32 @!p5 s13, $0x2;
	s0 =	sand.u32 @!p1 $0x7, s0;
	s10 =	sadd.s32 @!p1 s3, s10;
	[tilespmem:s31+$0x28] =	vst.add.f32.msk @!p4 $0xf, v1  }
0x28f: {  	[hbm4b:s10+s0] =	stream.linear.scatter @!p1 [tilespmem:s4], [sflag:$0xC], $0x4, $0x38;
	[tilespmem:$0x1F0F8] =	vst v63  }
0x290: {  	s1 =	rddreg [dreg:$0x4];
	s0 =	sadd.s32 @!p5 $0x28, s13;
	s4 =	simm.s32 @!p5 $0x1  }
0x291: {  	[spmem:s1] =	stream.linear.scatter @!p5 [tilespmem:s0], [sflag:$0x1], $0x4, $0x38;
	[tilespmem:$0x1F0F8] =	vst v63  }
0x292: {  	s2 =	sadd.s32 @p2 $0x1, s21;
	_ =	swait.ge @!p5 [sflag:s4], $0x4  }
0x293: {  	s5 =	sshrl.u32 @p2 s2, $0x4;
	[sflag:s4] =	ssyncset.done @!p5 $0x0  }
0x294: {  	s24 =	sadd.s32 $0x80, s24;
	s5 =	smulhi.u32 @p2 $0x97B425F, s5;
	[sflag:s4] =	ssyncadd.s32 @!p5 $0xFFFFFFFC  }
0x295: {  	s26 =	sadd.s32 $0xFFFFFFFF, s26;
	v1 =	vld.msk @p2 [tilespmem:s24+$0x0], $0xf  }
0x296: {  	p3 =	sne.s32 s26, $0x0;
	s5 =	smul.u32 @p2 $0x1B0, s5  }
.Ltmp16:
0x297: {  	_ = 	snop;
	(pc) =	sbr.rel @p3 .LBB2_16-.Ltmp16, $4  }
0x298: {  	s2 =	ssub.s32 @p2 s2, s5  }
0x299: {  	s8 =	sadd.s32 @!p4 s8, s29;
	s5 =	sshll.u32 @p2 s2, $0x4  }
0x29a: {  	s9 =	sadd.s32 @p2 $0x1, s25;
	s8 =	smov.u32 @p4 s29;
	[tilespmem:s5+$0x28] =	vst.msk @p2 $0xf, v1  }
0x29b: {  	s25 =	smov.u32 @p2 s9;
	s21 =	smov.u32 @p2 s2;
	s29 =	smov.u32 @p2 s8;
	v1 =	vld.msk @!p2 [tilespmem:s24+$0x0], $0xf  }
.LBB2_17:
.Ltmp17:
0x29c: {  	_ = 	snop;
	(pc) =	sbr.rel .LBB2_19-.Ltmp17, $3  }
0x29d: {  	s1 =	sld [smem:$0x7FD];
	_ =	sdelay $0x1  }
0x29e: {  	s0 =	sshrl.u32 s29, $0x2;
	s29 =	smov.u32 s28  }
0x29f: {  	s4 =	smov.u32 s6;
	s6 =	rddreg [dreg:$0x6];
	p4 =	seq.s32 s1, $0x1;
	[tilespmem:s30+$0x28] =	vst.add.f32.msk @!p2 $0xf, v1  }
.LBB2_21:
0x2a0: {  	_ =	sfence.sel $0x180000  }
0x2a1: {  	s0 =	simm.s32 $0x9;
	[bflag:$0x0] =	sbarrier.arrive $0xFFFF  }
0x2a2: {  	s24 =	simm.s32 $0xA;
	[sflag:s0] =	ssyncpa.u1 $0x1  }
0x2a3: {  	s25 =	simm.s32 $0xB;
	[sflag:s24] =	ssyncpa.u1 $0x1  }
0x2a4: {  	s26 =	simm.s32 $0x2;
	[sflag:s25] =	ssyncpa.u1 $0x1  }
0x2a5: {  	[sflag:s26] =	ssyncpa.u1 $0x1  }
0x2a6: {  	v0 =	vld [tilespmem:$0x3648];
	_ =	sdelay $0x4  }
0x2a7: {  	(v2sf) =	vpush v0, $0x0  }
0x2a8: {  	(v2sf) =	vpush v0, $0x1;
	_ =	sdelay $0x1  }
0x2a9: {  	(v2sf) =	vpush v0, $0x2;
	_ =	sdelay $0xb  }
0x2aa: {  	s0 =	spop (v2sf)  }
0x2ab: {  	s1 =	spop (v2sf)  }
0x2ac: {  	s2 =	smov.u32 s0;
	p0 =	sne.s32 s0, s1  }
0x2ad: {  	s4 =	spop (v2sf);
	s2 =	simm.s32 @!p0 $0xFFFFFFFF  }
0x2ae: {  	v2 =	vimm.s32 $0x1;
	v3 =	vlaneseq.u32;
	p0 =	seq.s32 s4, $0xFFFFFFFF;
	v1 =	vmov s2  }
0x2af: {  	s16 =	stileid.u32;
	v0 =	vperm.xlane v0, v2;
	p1 =	sne.s32 @!p0 s0, s1;
	v1 =	vperm.xlane v1, v3  }
0x2b0: {  	vm0 =	vcmask $0x3F04;
	s6 =	simm.s32 $0x3648;
	s0 =	simm.s32 @!p0 $0x1;
	p1 =	por !p1, p0  }
0x2b1: {  	s2 =	sshll.u32 s16, $0x1;
	s1 =	sshll.u32 @!p0 s4, $0x6;
	s0 =	simm.s32 @p1 $0x0;
	v0 =	vsel vm0, v1, v0  }
0x2b2: {  	s5 =	sor.u32 $0x200, s2;
	s1 =	sshra.s32 @!p0 s1, $0x2;
	s0 =	sor.u32 @!p0 s0, s2;
	[tilespmem:$0x3648] =	vst v0  }
0x2b3: {  	[spmem:s5] =	stream.linear.scatter [tilespmem:s6], [sflag:$0x1], $0x2, $0x38;
	[tilespmem:$0x1F0F8] =	vst v63  }
0x2b4: {  	s1 =	sadd.s32 @!p0 $0x28, s1;
	s0 =	sshll.u32 @!p0 s0, $0x4  }
0x2b5: {  	[spmem:s0] =	stream.linear.scatter @!p0 [tilespmem:s1], [sflag:$0x1], $0x10, $0x38;
	[tilespmem:$0x1F0F8] =	vst v63  }
0x2b6: {  	s0 =	simm.s32 @!p0 $0x12  }
0x2b7: {  	s28 =	simm.s32 $0x1;
	s0 =	simm.s32 @p0 $0x2  }
0x2b8: {  	_ =	swait.ge [sflag:s28], s0  }
0x2b9: {  	s0 =	ssub.s32 $0x0, s0;
	[sflag:s28] =	ssyncset.done $0x0  }
0x2ba: {  	p0 =	sne.s32 s16, $0x0;
	[sflag:s28] =	ssyncadd.s32 s0  }
.Ltmp18:
0x2bb: {  	_ =	sfence.stream.spmem;
	(pc) =	sbr.rel @p0 .LBB2_38-.Ltmp18, $4  }
0x2bc: {  	s29 =	simm.s32 $0x3;
	[bflag:$0x0] =	sbarrier.arrive $0xFFFF  }
0x2bd: {  	s30 =	simm.s32 $0x4;
	[sflag:s29] =	ssyncpa.u1 $0x1  }
0x2be: {  	s31 =	simm.s32 $0x3C;
	[sflag:s30] =	ssyncpa.u1 $0x1  }
0x2bf: {  	s17 =	rddreg [dreg:$0x5];
	[sflag:s31] =	ssyncpa.u1 $0x1  }
0x2c0: {  	_ =	sfence.stream.spmem;
	s0 =	simm.s32 $0x5  }
0x2c1: {  	s1 =	simm.s32 $0x200;
	s2 =	simm.s32 $0x3658;
	[sflag:s0] =	ssyncpa.u1 $0x0  }
0x2c2: {  	[tilespmem:s2], [sflag:$0x5] =	stream.linear.gather [spmem:s1], $0x20, $0x38;
	[tilespmem:$0x1F0F8] =	vst v63  }
0x2c3: {  	s26 =	simm.s32 $0x0;
	s28 =	simm.s32 $0x3678  }
0x2c4: {  	[tilespmem:s28], [sflag:$0x5] =	stream.linear.gather [spmem:s26], $0x200, $0x38;
	[tilespmem:$0x1F0F8] =	vst v63  }
0x2c5: {  	_ =	swait.ge [sflag:s0], $0x220  }
0x2c6: {  	[sflag:s0] =	ssyncset.done $0x0  }
0x2c7: {  	s29 =	simm.s32 $0x0;
	[sflag:s0] =	ssyncadd.s32 $0xFFFFFDE0  }
0x2c8: {  	v0 =	vld.msk [tilespmem:s29+$0x3658], $0x1;
	_ =	sdelay $0x1  }
0x2c9: {  	s30 =	simm.s32 $0x1  }
0x2ca: {  	v1 =	vld.msk [tilespmem:s30+$0x3658], $0x1;
	_ =	sdelay $0x1  }
0x2cb: {  	(v2sf) =	vpush v0, $0x0;
	_ =	sdelay $0x2  }
0x2cc: {  	(v2sf) =	vpush v1, $0x0;
	_ =	sdelay $0x2  }
0x2cd: {  	s31 =	simm.s32 $0x2  }
0x2ce: {  	v0 =	vld.msk [tilespmem:s31+$0x3658], $0x1;
	_ =	sdelay $0x2  }
0x2cf: {  	s6 =	simm.s32 $0xFFFFFFFF;
	s1 =	simm.s32 $0xFFFFFFFF;
	s0 =	simm.s32 $0xC  }
.LBB2_23:
0x2d0: {  	s2 =	smov.u32 s6;
	s4 =	smov.u32 s1  }
0x2d1: {  	s1 =	sshra.s32 s0, $0x2;
	p1 =	sne.s32 s0, $0x7C;
	s0 =	sadd.s32 $0x4, s0;
	(v2sf) =	vpush v0, $0x0  }
0x2d2: {  	v0 =	vld.msk [tilespmem:s1+$0x3658], $0x1  }
.Ltmp19:
0x2d3: {  	(pc) =	sbr.rel @p1 .LBB2_23-.Ltmp19, $4  }
0x2d4: {  	s6 =	spop (v2sf)  }
0x2d5: {  	p2 =	sne.s32 s4, $0xFFFFFFFF;
	s1 =	smov.u32 s6  }
0x2d6: {  	p3 =	seq.s32 s6, $0xFFFFFFFF;
	s1 =	smov.u32 @p2 s4  }
0x2d7: {  	s6 =	smov.u32 @p3 s2;
	s1 =	smov.u32 @p3 s4  }
0x2d8: {  	(v2sf) =	vpush v0, $0x0;
	_ =	sdelay $0x8  }
0x2d9: {  	s0 =	spop (v2sf)  }
0x2da: {  	p1 =	sne.s32 s1, $0xFFFFFFFF;
	s2 =	smov.u32 s0  }
0x2db: {  	s9 =	simm.s32 $0x6;
	p2 =	seq.s32 s0, $0xFFFFFFFF;
	s2 =	smov.u32 @p1 s1  }
0x2dc: {  	s10 =	simm.s32 $0x3638;
	s2 =	smov.u32 @p2 s1;
	s1 =	spop (v2sf)  }
0x2dd: {  	s0 =	smov.u32 @p2 s6;
	p1 =	sne.s32 s2, $0xFFFFFFFF;
	s4 =	smov.u32 s1  }
.Ltmp20:
0x2de: {  	p2 =	seq.s32 s1, $0xFFFFFFFF;
	s4 =	smov.u32 @p1 s2;
	(pc) =	sbr.rel .LBB2_25-.Ltmp20, $4  }
0x2df: {  	s11 =	simm.s32 $0x0;
	s4 =	smov.u32 @p2 s2;
	s7 =	spop (v2sf)  }
0x2e0: {  	[sflag:s9] =	ssyncpa.u1 $0x0;
	p1 =	sne.s32 s4, $0xFFFFFFFF;
	s8 =	smov.u32 s7  }
0x2e1: {  	s1 =	smov.u32 @p2 s0;
	p2 =	seq.s32 s7, $0xFFFFFFFF;
	s8 =	smov.u32 @p1 s4  }
0x2e2: {  	s6 =	simm.s32 $0x0;
	s7 =	smov.u32 @p2 s1;
	s8 =	smov.u32 @p2 s4  }
.LBB2_30:
0x2e3: {  	p1 =	sgt.u32 s12, $0x1FFF  }
0x2e4: {  	p2 =	seq.s32 @!p1 s12, s8  }
0x2e5: {  	p1 =	por p1, p2  }
0x2e6: {  	p2 =	sne.s32 @!p1 s12, s7  }
0x2e7: {  	p1 =	por p1, !p2  }
0x2e8: {  	s0 =	sshll.u32 @p1 s11, $0x6  }
0x2e9: {  	s0 =	sand.u32 @!p1 $0x1FF8, s12  }
0x2ea: {  	s1 =	sand.u32 @!p1 $0x7, s12;
	s0 =	sadd.s32 @!p1 s3, s0  }
0x2eb: {  	[tilespmem:s10], [sflag:$0x6] =	stream.linear.gather @!p1 [hbm4b:s0+s1], $0x4, $0x38;
	[tilespmem:$0x1F0F8] =	vst v63  }
0x2ec: {  	_ =	swait.ge @!p1 [sflag:s9], $0x4  }
0x2ed: {  	[sflag:s9] =	ssyncset.done @!p1 $0x0  }
0x2ee: {  	[sflag:s9] =	ssyncadd.s32 @!p1 $0xFFFFFFFC  }
0x2ef: {  	v1 =	vld @!p1 [tilespmem:$0x3638];
	_ =	sdelay $0x2  }
0x2f0: {  	s0 =	sshll.u32 @!p1 s11, $0x6  }
0x2f1: {  	s1 =	sshrl.u32 @!p1 s0, $0x2  }
0x2f2: {  	[tilespmem:s1+$0x3678] =	vst.add.f32.msk @!p1 $0xffff, v1  }
0x2f3: {  	s0 =	sshrl.u32 s0, $0x2;
	[tilespmem:s6+$0x3658] =	vst.msk $0x1, v0  }
0x2f4: {  	v0 =	vld [tilespmem:s0+$0x3678];
	_ =	sdelay $0x2  }
0x2f5: {  	s31 =	sshll.u32 s6, $0x6  }
0x2f6: {  	s0 =	sshra.s32 s31, $0x2  }
0x2f7: {  	s6 =	sadd.s32 $0x1, s6;
	[tilespmem:s0+$0x3678] =	vst v0  }
.LBB2_32:
0x2f8: {  	s11 =	sadd.s32 $0x1, s11  }
0x2f9: {  	p1 =	sne.s32 s11, $0x20  }
.Ltmp21:
0x2fa: {  	_ = 	snop;
	(pc) =	sbr.rel @!p1 .LBB2_33-.Ltmp21, $1  }
0x2fb: {  	_ =	sdelay $0x3  }
.LBB2_25:
0x2fc: {  	v0 =	vld.msk [tilespmem:s11+$0x3658], $0x1;
	_ =	sdelay $0x4  }
0x2fd: {  	(v2sf) =	vpush v0, $0x0;
	_ =	sdelay $0xe  }
0x2fe: {  	s12 =	spop (v2sf)  }
0x2ff: {  	p1 =	seq.s32 s12, $0xFFFFFFFF  }
.Ltmp22:
0x300: {  	_ = 	snop;
	(pc) =	sbr.rel @p1 .LBB2_32-.Ltmp22, $1  }
0x301: {  	_ =	sdelay $0x3  }
0x302: {  	p1 =	slt.s32 s6, $0x1  }
.Ltmp23:
0x303: {  	_ = 	snop;
	(pc) =	sbr.rel @p1 .LBB2_30-.Ltmp23, $1  }
0x304: {  	_ =	sdelay $0x3  }
0x305: {  	s13 =	simm.s32 $0x3658;
	p1 =	por $0x0, $0x0  }
0x306: {  	v1 =	vld.msk @!p1 [tilespmem:s13+$0x0], $0x1;
	_ =	sdelay $0x4  }
0x307: {  	(v2sf) =	vpush @!p1 v1, $0x0;
	_ =	sdelay $0xd  }
0x308: {  	p3 =	sne.s32 s6, $0x1  }
.Ltmp24:
0x309: {  	s0 =	spop @!p1 (v2sf);
	(pc) =	sbr.rel @!p3 .LBB2_29-.Ltmp24, $4  }
0x30a: {  	p2 =	seq.s32 @!p1 s12, s0  }
0x30b: {  	s14 =	simm.s32 $0x0;
	p2 =	por !p2, p1  }
0x30c: {  	s0 =	simm.s32 $0xFFFFFFFF;
	s14 =	simm.s32 @p2 $0xFFFFFFFF  }
0x30d: {  	s15 =	simm.s32 $0x1;
	s14 =	smov.u32 @p1 s0  }
.LBB2_28:
0x30e: {  	s0 =	smov.u32 s14;
	p1 =	sne.s32 s14, $0xFFFFFFFF  }
0x30f: {  	s13 =	sadd.s32 $0x1, s13;
	s14 =	smov.u32 s15;
	s15 =	sadd.s32 $0x1, s15  }
0x310: {  	p2 =	sne.s32 s6, s15;
	v1 =	vld.msk @!p1 [tilespmem:s13+$0x0], $0x1;
	_ =	sdelay $0x4  }
0x311: {  	(v2sf) =	vpush @!p1 v1, $0x0;
	_ =	sdelay $0xe  }
.Ltmp25:
0x312: {  	s1 =	spop @!p1 (v2sf);
	(pc) =	sbr.rel @p2 .LBB2_28-.Ltmp25, $4  }
0x313: {  	p3 =	seq.s32 @!p1 s12, s1  }
0x314: {  	p3 =	por !p3, p1  }
0x315: {  	s14 =	simm.s32 @p3 $0xFFFFFFFF  }
0x316: {  	s14 =	smov.u32 @p1 s0  }
.LBB2_29:
0x317: {  	p1 =	sne.s32 s14, $0xFFFFFFFF  }
.Ltmp26:
0x318: {  	_ = 	snop;
	(pc) =	sbr.rel @!p1 .LBB2_30-.Ltmp26, $1  }
0x319: {  	_ =	sdelay $0x3  }
0x31a: {  	s0 =	sshll.u32 s11, $0x4  }
0x31b: {  	s0 =	sand.u32 $0x3FFFFFF0, s0  }
0x31c: {  	v0 =	vld [tilespmem:s0+$0x3678]  }
.Ltmp27:
0x31d: {  	_ = 	snop;
	(pc) =	sbr.rel .LBB2_32-.Ltmp27, $4  }
0x31e: {  	_ = 	snop  }
0x31f: {  	s31 =	sshll.u32 s14, $0x6  }
0x320: {  	s0 =	sshra.s32 s31, $0x2  }
0x321: {  	[tilespmem:s0+$0x3678] =	vst.add.f32.msk $0xffff, v0  }
.LBB2_33:
0x322: {  	s0 =	simm.s32 $0x6;
	p1 =	seq.s32 s6, $0x0  }
0x323: {  	[sflag:s0] =	ssyncpa.u1 $0x1;
	v0 =	vimm.s32 @p1 $0xFFFFFFFF  }
0x324: {  	s9 =	sadd.s32 $0xFFFFFFFF, s6;
	[tilespmem:$0x3878] =	vst @p1 v0  }
0x325: {  	v0 =	vld.msk @!p1 [tilespmem:s9+$0x3658], $0x1;
	_ =	sdelay $0x1  }
0x326: {  	v1 =	vld.msk @!p1 [tilespmem:$0x3658], $0x1;
	_ =	sdelay $0x2  }
0x327: {  	p2 =	seq.s32 @!p1 s9, $0x0;
	v0 =	vbroadcast @!p1 v0, $0x0  }
0x328: {  	vm0 =	vmmov @!p1 $0x1;
	p2 =	por !p2, p1  }
0x329: {  	v1 =	vnsel @!p1 vm0, $0xFFFFFFFF, v1;
	vm0 =	vcmask @!p1 $0x308;
	v0 =	vpsel !p2, $0xFFFFFFFF, v0  }
0x32a: {  	p2 =	sne.s32 @!p1 s8, s7;
	v0 =	vsel @!p1 vm0, v1, v0  }
0x32b: {  	s0 =	simm.s32 @!p1 $0x3678;
	s1 =	simm.s32 @!p1 $0x0;
	p3 =	por !p2, p1;
	[tilespmem:$0x3878] =	vst @!p1 v0  }
0x32c: {  	[spmem:s1] =	stream.linear.scatter @!p1 [tilespmem:s0], [sflag:$0x1], $0x10, $0x38;
	[tilespmem:$0x1F0F8] =	vst v63  }
0x32d: {  	s0 =	sshll.u32 @!p3 s9, $0x6  }
0x32e: {  	s0 =	sshra.s32 @!p3 s0, $0x2  }
0x32f: {  	s1 =	simm.s32 @!p3 $0x10;
	s0 =	sadd.s32 @!p3 $0x3678, s0  }
0x330: {  	[spmem:s1] =	stream.linear.scatter @!p3 [tilespmem:s0], [sflag:$0x1], $0x10, $0x38;
	[tilespmem:$0x1F0F8] =	vst v63  }
0x331: {  	s0 =	simm.s32 @!p3 $0x1  }
0x332: {  	_ =	swait.ge @!p3 [sflag:s0], $0x20  }
0x333: {  	p1 =	por p2, p1;
	[sflag:s0] =	ssyncset.done @!p3 $0x0  }
0x334: {  	[sflag:s0] =	ssyncadd.s32 @!p3 $0xFFFFFFE0;
	s0 =	simm.s32 @!p1 $0x1  }
0x335: {  	_ =	swait.ge @!p1 [sflag:s0], $0x10  }
0x336: {  	s29 =	simm.s32 $0x3878;
	[sflag:s0] =	ssyncset.done @!p1 $0x0  }
0x337: {  	s30 =	simm.s32 $0x200;
	s31 =	simm.s32 $0x1;
	[sflag:s0] =	ssyncadd.s32 @!p1 $0xFFFFFFF0  }
0x338: {  	[spmem:s30] =	stream.linear.scatter [tilespmem:s29], [sflag:$0x1], $0x10, $0x38;
	[tilespmem:$0x1F0F8] =	vst v63  }
0x339: {  	_ =	swait.ge [sflag:s31], $0x10  }
0x33a: {  	[sflag:s31] =	ssyncset.done $0x0  }
0x33b: {  	p1 =	seq.s32 s17, $0x0;
	s8 =	rddreg [dreg:$0x1];
	[sflag:s31] =	ssyncadd.s32 $0xFFFFFFF0  }
0x33c: {  	s1 =	sshll.u32 @p1 s8, $0xE;
	s7 =	rddreg [dreg:$0x2]  }
0x33d: {  	s0 =	sadd.s32 @p1 $0x15C3C, s1;
	s1 =	sshll.u32 @p1 s7, $0x11  }
0x33e: {  	_ =	sfence.stream.spmem;
	s0 =	sor.u32 @p1 s1, s0  }
0x33f: {  	[sflag:s0] =	ssyncadd.remote.s32 @p1 $0x1;
	s0 =	simm.s32 @p1 $0x4  }
0x340: {  	s2 =	simm.s32 @!p1 $0x3C;
	s1 =	sand.u32 $0xFFFFFFFE, s8;
	_ =	swait.ge @p1 [sflag:s0], $0x6  }
0x341: {  	s4 =	simm.s32 @!p1 $0x0;
	s1 =	sadd.s32 @!p1 $0x4, s1;
	[sflag:s0] =	ssyncset.done @p1 $0x0  }
0x342: {  	s5 =	simm.s32 @!p1 $0x20;
	[sflag:s0] =	ssyncadd.s32 @p1 $0xFFFFFFFA;
	s0 =	sshll.u32 @!p1 s1, $0x1A  }
0x343: {  	s1 =	sshll.u32 @!p1 s1, $0xD;
	s0 =	sor.u32 @!p1 s0, s7;
	_ =	swait.eq @!p1 [sflag:s2], $0x1  }
0x344: {  	s1 =	sor.u32 @!p1 $0x1C04, s1;
	s2 =	simm.s32 @!p1 $0x1C03;
	s0 =	sor.u32 @!p1 $0x80004000, s0  }
0x345: {  	[spmem:s5], [sflag:s1] =	dma.general @!p1 [spmem:s4], [sflag:s2], length:$0x4, [dreg:$0x0], stride_count:$0x0, ici_dest:s0, dma_misc:DstOpCode:WRITE  }
0x346: {  	p2 =	slt.s32 s9, $0x2;
	s4 =	simm.s32 @!p1 $0x40;
	s5 =	simm.s32 @!p1 $0x42  }
0x347: {  	[spmem:s5], [sflag:s1] =	dma.general @!p1 [spmem:s4], [sflag:s2], length:$0x2, [dreg:$0x0], stride_count:$0x0, ici_dest:s0, dma_misc:DstOpCode:WRITE  }
.Ltmp28:
0x348: {  	s0 =	simm.s32 @!p1 $0x3;
	(pc) =	sbr.rel @p2 .LBB2_37-.Ltmp28, $4  }
0x349: {  	s1 =	sshll.u32 @!p1 s8, $0xE;
	_ =	swait.ge @!p1 [sflag:s0], $0x6  }
0x34a: {  	s2 =	sshll.u32 @!p1 s7, $0x11;
	s1 =	sadd.s32 @!p1 $0x11C3C, s1;
	[sflag:s0] =	ssyncset.done @!p1 $0x0  }
0x34b: {  	[sflag:s0] =	ssyncadd.s32 @!p1 $0xFFFFFFFA;
	s0 =	sor.u32 @!p1 s2, s1  }
0x34c: {  	[sflag:s0] =	ssyncadd.remote.s32 @!p1 $0xFFFFFFFF;
	s0 =	simm.s32 $0x0  }
0x34d: {  	s0 =	simm.s32 $0x3659  }
0x34e: {  	v0 =	vld.msk [tilespmem:s0+$0x0], $0x1;
	_ =	sdelay $0x4  }
0x34f: {  	(v2sf) =	vpush v0, $0x0;
	_ =	sdelay $0xd  }
0x350: {  	s2 =	sadd.s32 $0xFFFFFFFE, s6  }
0x351: {  	s2 =	sadd.s32 $0xFFFFFFFF, s2;
	s0 =	spop (v2sf)  }
0x352: {  	p2 =	sne.s32 s2, $0x0;
	p1 =	sgt.u32 s0, $0x1FFF  }
.Ltmp29:
0x353: {  	s4 =	sand.u32 @!p1 $0x1FF8, s0;
	(pc) =	sbr.rel @!p2 .LBB2_36-.Ltmp29, $4  }
0x354: {  	s1 =	simm.s32 $0x3688;
	s0 =	sand.u32 @!p1 $0x7, s0;
	s4 =	sadd.s32 @!p1 s3, s4  }
0x355: {  	[hbm4b:s4+s0] =	stream.linear.scatter @!p1 [tilespmem:s1], [sflag:$0x5], $0x4, $0x38;
	[tilespmem:$0x1F0F8] =	vst v63  }
0x356: {  	s0 =	simm.s32 $0x0  }
0x357: {  	s6 =	simm.s32 $0x0;
	s7 =	simm.s32 $0x365A;
	s0 =	simm.s32 @!p1 $0x10  }
.LBB2_35:
0x358: {  	v0 =	vld.msk [tilespmem:s7+$0x0], $0x1;
	s2 =	sadd.s32 $0xFFFFFFFF, s2;
	s6 =	sadd.s32 s6, s0  }
0x359: {  	p1 =	sne.s32 s2, $0x0;
	_ =	sdelay $0x3  }
0x35a: {  	(v2sf) =	vpush v0, $0x0;
	_ =	sdelay $0xe  }
.Ltmp30:
0x35b: {  	s4 =	spop (v2sf);
	(pc) =	sbr.rel @p1 .LBB2_35-.Ltmp30, $4  }
0x35c: {  	s0 =	simm.s32 $0x0;
	p2 =	sgt.u32 s4, $0x1FFF  }
0x35d: {  	s1 =	sadd.s32 $0x10, s1;
	s0 =	simm.s32 @!p2 $0x10;
	s5 =	sand.u32 @!p2 $0x1FF8, s4  }
0x35e: {  	s7 =	sadd.s32 $0x1, s7;
	s4 =	sand.u32 @!p2 $0x7, s4;
	s5 =	sadd.s32 @!p2 s3, s5  }
0x35f: {  	[hbm4b:s5+s4] =	stream.linear.scatter @!p2 [tilespmem:s1], [sflag:$0x5], $0x4, $0x38;
	[tilespmem:$0x1F0F8] =	vst v63  }
.LBB2_36:
0x360: {  	s0 =	sadd.s32 s6, s0  }
0x361: {  	s0 =	sshrl.u32 s0, $0x2  }
.LBB2_37:
0x362: {  	s1 =	simm.s32 $0x5  }
0x363: {  	_ =	swait.ge [sflag:s1], s0  }
0x364: {  	s31 =	ssub.s32 $0x0, s0;
	[sflag:s1] =	ssyncset.done $0x0  }
0x365: {  	[sflag:s1] =	ssyncadd.s32 s31  }
0x366: {  	[sflag:s1] =	ssyncpa.u1 $0x1  }
.LBB2_38:
0x367: {  	s0 =	sor.u32 s17, s16  }
0x368: {  	p1 =	sne.s32 s0, $0x0  }
.Ltmp31:
0x369: {  	_ = 	snop;
	(pc) =	sbr.rel @p1 .LBB2_53-.Ltmp31, $3  }
0x36a: {  	_ =	sdelay $0x1  }
0x36b: {  	[bflag:$0x0] =	sbarrier.arrive $0xFFFF  }
0x36c: {  	_ =	sfence  }
0x36d: {  	s0 =	simm.s32 $0x7  }
0x36e: {  	s1 =	simm.s32 $0x200;
	s2 =	simm.s32 $0x3658;
	[sflag:s0] =	ssyncpa.u1 $0x0  }
0x36f: {  	[tilespmem:s2], [sflag:$0x7] =	stream.linear.gather [spmem:s1], $0x20, $0x38;
	[tilespmem:$0x1F0F8] =	vst v63  }
0x370: {  	s30 =	simm.s32 $0x3678;
	s1 =	simm.s32 $0x0  }
0x371: {  	[tilespmem:s30], [sflag:$0x7] =	stream.linear.gather [spmem:s1], $0x200, $0x38;
	[tilespmem:$0x1F0F8] =	vst v63  }
.Ltmp32:
0x372: {  	_ = 	snop;
	(pc) =	sbr.rel .LBB2_40-.Ltmp32, $4  }
0x373: {  	_ =	swait.ge [sflag:s0], $0x220  }
0x374: {  	[sflag:s0] =	ssyncset.done $0x0  }
0x375: {  	s31 =	simm.s32 $0x8;
	[sflag:s0] =	ssyncadd.s32 $0xFFFFFDE0  }
0x376: {  	s2 =	simm.s32 $0x0;
	[sflag:s31] =	ssyncpa.u1 $0x0  }
.LBB2_45:
0x377: {  	p1 =	slt.u32 s4, $0x2000  }
0x378: {  	s0 =	sand.u32 @p1 $0x1FF8, s4  }
0x379: {  	s4 =	sand.u32 @p1 $0x7, s4;
	s5 =	simm.s32 @p1 $0x3638;
	s0 =	sadd.s32 @p1 s3, s0  }
0x37a: {  	[tilespmem:s5], [sflag:$0x8] =	stream.linear.gather @p1 [hbm4b:s0+s4], $0x4, $0x38;
	[tilespmem:$0x1F0F8] =	vst v63  }
0x37b: {  	s0 =	simm.s32 @p1 $0x8  }
0x37c: {  	_ =	swait.ge @p1 [sflag:s0], $0x4  }
0x37d: {  	[sflag:s0] =	ssyncset.done @p1 $0x0  }
0x37e: {  	[sflag:s0] =	ssyncadd.s32 @p1 $0xFFFFFFFC  }
0x37f: {  	v1 =	vld @p1 [tilespmem:$0x3638];
	_ =	sdelay $0x2  }
0x380: {  	s0 =	sshll.u32 @p1 s2, $0x6  }
0x381: {  	s5 =	sshll.u32 @!p1 s2, $0x6;
	s4 =	sshrl.u32 @p1 s0, $0x2  }
0x382: {  	s5 =	smov.u32 @p1 s0;
	[tilespmem:s4+$0x3678] =	vst.add.f32.msk @p1 $0xffff, v1  }
0x383: {  	s0 =	sshrl.u32 s5, $0x2;
	[tilespmem:s1+$0x3658] =	vst.msk $0x1, v0  }
0x384: {  	v0 =	vld [tilespmem:s0+$0x3678];
	_ =	sdelay $0x2  }
0x385: {  	s31 =	sshll.u32 s1, $0x6  }
0x386: {  	s0 =	sshra.s32 s31, $0x2  }
0x387: {  	s1 =	sadd.s32 $0x1, s1;
	[tilespmem:s0+$0x3678] =	vst v0  }
.LBB2_47:
0x388: {  	s2 =	sadd.s32 $0x1, s2  }
0x389: {  	p1 =	sne.s32 s2, $0x20  }
.Ltmp33:
0x38a: {  	_ = 	snop;
	(pc) =	sbr.rel @!p1 .LBB2_48-.Ltmp33, $1  }
0x38b: {  	_ =	sdelay $0x3  }
.LBB2_40:
0x38c: {  	v0 =	vld.msk [tilespmem:s2+$0x3658], $0x1;
	_ =	sdelay $0x4  }
0x38d: {  	(v2sf) =	vpush v0, $0x0;
	_ =	sdelay $0xe  }
0x38e: {  	s4 =	spop (v2sf)  }
0x38f: {  	p1 =	seq.s32 s4, $0xFFFFFFFF  }
.Ltmp34:
0x390: {  	_ = 	snop;
	(pc) =	sbr.rel @p1 .LBB2_47-.Ltmp34, $1  }
0x391: {  	_ =	sdelay $0x3  }
0x392: {  	p1 =	slt.s32 s1, $0x1  }
.Ltmp35:
0x393: {  	_ = 	snop;
	(pc) =	sbr.rel @p1 .LBB2_45-.Ltmp35, $1  }
0x394: {  	_ =	sdelay $0x3  }
0x395: {  	s5 =	simm.s32 $0x3658;
	p1 =	por $0x0, $0x0  }
0x396: {  	v1 =	vld.msk @!p1 [tilespmem:s5+$0x0], $0x1;
	_ =	sdelay $0x4  }
0x397: {  	(v2sf) =	vpush @!p1 v1, $0x0;
	_ =	sdelay $0xd  }
0x398: {  	p3 =	sne.s32 s1, $0x1  }
.Ltmp36:
0x399: {  	s0 =	spop @!p1 (v2sf);
	(pc) =	sbr.rel @!p3 .LBB2_44-.Ltmp36, $4  }
0x39a: {  	p2 =	seq.s32 @!p1 s4, s0  }
0x39b: {  	s6 =	simm.s32 $0x0;
	p2 =	por !p2, p1  }
0x39c: {  	s0 =	simm.s32 $0xFFFFFFFF;
	s6 =	simm.s32 @p2 $0xFFFFFFFF  }
0x39d: {  	s7 =	simm.s32 $0x1;
	s6 =	smov.u32 @p1 s0  }
.LBB2_43:
0x39e: {  	s0 =	smov.u32 s6;
	p1 =	sne.s32 s6, $0xFFFFFFFF  }
0x39f: {  	s5 =	sadd.s32 $0x1, s5;
	s6 =	smov.u32 s7;
	s7 =	sadd.s32 $0x1, s7  }
0x3a0: {  	p2 =	sne.s32 s1, s7;
	v1 =	vld.msk @!p1 [tilespmem:s5+$0x0], $0x1;
	_ =	sdelay $0x4  }
0x3a1: {  	(v2sf) =	vpush @!p1 v1, $0x0;
	_ =	sdelay $0xe  }
.Ltmp37:
0x3a2: {  	s8 =	spop @!p1 (v2sf);
	(pc) =	sbr.rel @p2 .LBB2_43-.Ltmp37, $4  }
0x3a3: {  	p3 =	seq.s32 @!p1 s4, s8  }
0x3a4: {  	p3 =	por !p3, p1  }
0x3a5: {  	s6 =	simm.s32 @p3 $0xFFFFFFFF  }
0x3a6: {  	s6 =	smov.u32 @p1 s0  }
.LBB2_44:
0x3a7: {  	p1 =	sne.s32 s6, $0xFFFFFFFF  }
.Ltmp38:
0x3a8: {  	_ = 	snop;
	(pc) =	sbr.rel @!p1 .LBB2_45-.Ltmp38, $1  }
0x3a9: {  	_ =	sdelay $0x3  }
0x3aa: {  	s0 =	sshll.u32 s2, $0x4  }
0x3ab: {  	s0 =	sand.u32 $0x3FFFFFF0, s0  }
0x3ac: {  	v0 =	vld [tilespmem:s0+$0x3678]  }
.Ltmp39:
0x3ad: {  	_ = 	snop;
	(pc) =	sbr.rel .LBB2_47-.Ltmp39, $4  }
0x3ae: {  	_ = 	snop  }
0x3af: {  	s31 =	sshll.u32 s6, $0x6  }
0x3b0: {  	s0 =	sshra.s32 s31, $0x2  }
0x3b1: {  	[tilespmem:s0+$0x3678] =	vst.add.f32.msk $0xffff, v0  }
.LBB2_48:
0x3b2: {  	p1 =	slt.s32 s1, $0x1  }
.Ltmp40:
0x3b3: {  	_ = 	snop;
	(pc) =	sbr.rel @p1 .LBB2_52-.Ltmp40, $3  }
0x3b4: {  	_ =	sdelay $0x1  }
0x3b5: {  	s0 =	simm.s32 $0x8  }
0x3b6: {  	s2 =	simm.s32 $0x0;
	[sflag:s0] =	ssyncpa.u1 $0x1  }
0x3b7: {  	s0 =	simm.s32 $0x3658  }
0x3b8: {  	v0 =	vld.msk [tilespmem:s0+$0x0], $0x1;
	_ =	sdelay $0x4  }
0x3b9: {  	(v2sf) =	vpush v0, $0x0;
	_ =	sdelay $0xe  }
0x3ba: {  	s1 =	sadd.s32 $0xFFFFFFFF, s1;
	s0 =	spop (v2sf)  }
0x3bb: {  	p2 =	sne.s32 s1, $0x0;
	p1 =	sgt.u32 s0, $0x1FFF  }
.Ltmp41:
0x3bc: {  	s5 =	sand.u32 @!p1 $0x1FF8, s0;
	(pc) =	sbr.rel @!p2 .LBB2_51-.Ltmp41, $4  }
0x3bd: {  	s4 =	simm.s32 $0x3678;
	s0 =	sand.u32 @!p1 $0x7, s0;
	s5 =	sadd.s32 @!p1 s3, s5  }
0x3be: {  	[hbm4b:s5+s0] =	stream.linear.scatter @!p1 [tilespmem:s4], [sflag:$0x7], $0x4, $0x38;
	[tilespmem:$0x1F0F8] =	vst v63  }
0x3bf: {  	s0 =	simm.s32 $0x0  }
0x3c0: {  	s5 =	simm.s32 $0x3659;
	s0 =	simm.s32 @!p1 $0x10  }
.LBB2_50:
0x3c1: {  	v0 =	vld.msk [tilespmem:s5+$0x0], $0x1;
	s1 =	sadd.s32 $0xFFFFFFFF, s1;
	s2 =	sadd.s32 s2, s0  }
0x3c2: {  	p1 =	sne.s32 s1, $0x0;
	_ =	sdelay $0x3  }
0x3c3: {  	(v2sf) =	vpush v0, $0x0;
	_ =	sdelay $0xe  }
.Ltmp42:
0x3c4: {  	s6 =	spop (v2sf);
	(pc) =	sbr.rel @p1 .LBB2_50-.Ltmp42, $4  }
0x3c5: {  	s0 =	simm.s32 $0x0;
	p2 =	sgt.u32 s6, $0x1FFF  }
0x3c6: {  	s4 =	sadd.s32 $0x10, s4;
	s0 =	simm.s32 @!p2 $0x10;
	s7 =	sand.u32 @!p2 $0x1FF8, s6  }
0x3c7: {  	s5 =	sadd.s32 $0x1, s5;
	s6 =	sand.u32 @!p2 $0x7, s6;
	s7 =	sadd.s32 @!p2 s3, s7  }
0x3c8: {  	[hbm4b:s7+s6] =	stream.linear.scatter @!p2 [tilespmem:s4], [sflag:$0x7], $0x4, $0x38;
	[tilespmem:$0x1F0F8] =	vst v63  }
.LBB2_51:
0x3c9: {  	s0 =	sadd.s32 s2, s0  }
0x3ca: {  	s2 =	sshrl.u32 s0, $0x2  }
.LBB2_52:
0x3cb: {  	s0 =	simm.s32 $0x7  }
0x3cc: {  	_ =	swait.ge [sflag:s0], s2  }
0x3cd: {  	s1 =	ssub.s32 $0x0, s2;
	[sflag:s0] =	ssyncset.done $0x0  }
0x3ce: {  	[sflag:s0] =	ssyncadd.s32 s1  }
0x3cf: {  	[sflag:s0] =	ssyncpa.u1 $0x1  }
.LBB2_53:
0x3d0: {  	_ =	sfence;
	s0 =	simm.s32 $0x1  }
0x3d1: {  	[sflag:s0] =	ssyncpa.u1 $0x1  }
0x3d2: {  	_ =	strace $0x9000004A  }
0x3d3: {  	[bflag:$0x2] =	sbarrier.arrive $0xFFFF  }
0x3d4: {  	s0 =	rddreg [dreg:$0x3]  }
0x3d5: {  	s0 =	sadd.s32 @!p0 $0x100000, s0  }
0x3d6: {  	[sflag:s0] =	ssyncadd.tile.s32 @!p0 $0x1;
	_ =	shalt  }
.Lfunc_end2:
_tile_overlayer_lowered:
.L_overlay_start_2:
0x3d7: {  	(tag) =	ssettag $0x2  }
0x3d8: {  	s0 =	rddreg [dreg:$0x0];
	s2 =	stileid.u32  }
0x3d9: {  	s1 =	rddreg [dreg:$0x1];
	p0 =	sne.s32 s2, $0x0  }
0x3da: {  	s3 =	rddreg [dreg:$0x2];
	[bflag:$0x3] =	sbarrier.arrive $0xFFFF;
	s2 =	simm.s32 @!p0 $0x1C01  }
0x3db: {  	[timem:s3], [sflag:s2] =	dma.local @!p0 [hbm:s0], s1  }
0x3dc: {  	s0 =	simm.s32 @!p0 $0x1  }
0x3dd: {  	_ =	swait.ge @!p0 [sflag:s0], s1  }
0x3de: {  	s1 =	ssub.s32 @!p0 $0x0, s1;
	[sflag:s0] =	ssyncset.done @!p0 $0x0  }
0x3df: {  	[sflag:s0] =	ssyncadd.s32 @!p0 s1  }
0x3e0: {  	[bflag:$0x3] =	sbarrier.arrive $0xFFFF  }
0x3e1: {  	_ =	shalt  }

// kernel: scatter_offload_async_start
scs
__scs_entry_jumppad:
0x0: {  	(pc) =	sbr.rel $0x88, $3  }
0x1: {  	(tag) =	ssettag $0x0;
	lr =	simm.s32 $0x1  }
0x2: {  	[smem:$0x3F91] =	sst lr;
	_ =	strace $0xD0000000  }
0x3: {  	_ = 	snop  }
0x4: {  	_ = 	snop  }
0x5: {  	_ = 	snop  }
0x6: {  	_ = 	snop  }
0x7: {  	_ = 	snop  }
__scs_overlays_trampoline_lowered:
0x8: {  	[smem:$0x3FA0] =	sst s0  }
0x9: {  	[smem:$0x3FA1] =	sst s1  }
0xa: {  	[smem:$0x3FA2] =	sst s2  }
0xb: {  	[smem:$0x3FA3] =	sst s3  }
0xc: {  	[smem:$0x3FA4] =	sst s4  }
0xd: {  	[smem:$0x3FA5] =	sst s5  }
0xe: {  	[smem:$0x3FA6] =	sst s6  }
0xf: {  	[smem:$0x3FA7] =	sst s7  }
0x10: {  	[smem:$0x3FA8] =	sst s8  }
0x11: {  	[smem:$0x3FA9] =	sst s9;
	s0 =	simm.s32 @!p0 $0x0  }
0x12: {  	s1 =	sld [smem:$0x3F8F];
	s0 =	simm.s32 @p0 $0x1  }
0x13: {  	[smem:$0x3FAA] =	sst s0;
	s0 =	simm.s32 @!p1 $0x0  }
0x14: {  	s2 =	sld [smem:$0x3F8E];
	s0 =	simm.s32 @p1 $0x1  }
0x15: {  	[smem:$0x3FAB] =	sst s0;
	s0 =	simm.s32 @!p2 $0x0  }
0x16: {  	s3 =	sld [smem:$0x3FDB];
	s0 =	simm.s32 @p2 $0x1  }
0x17: {  	s4 =	simm.s32 $0x1BF5;
	[smem:$0x3FAD] =	sst s0  }
0x18: {  	s0 =	sld [smem:$0x3F90];
	_ =	swait.ge [sflag:s4], $0x0  }
0x19: {  	s7 =	sld [smem:$0x3F91]  }
0x1a: {  	s8 =	sadd.s32 $0xFFFFE003, lr  }
0x1b: {  	s9 =	sadd.s32 $0xFFFFFEF7, lr;
	s5 =	simm.s32 $0xFFFFFFFF;
	p2 =	slt.u32 s8, $0xFFFFF086  }
0x1c: {  	p1 =	slt.u32 s9, $0xF7A;
	s5 =	simm.s32 @!p2 $0x0  }
0x1d: {  	s5 =	simm.s32 @p1 $0x1;
	p0 =	seq.s32 s7, s2  }
0x1e: {  	s7 =	smul.u32 @!p0 $0xF7A, s2;
	p2 =	seq.s32 @!p0 s5, $0x0  }
0x1f: {  	s9 =	smul.u32 $0xF7A, s1;
	s8 =	simm.s32 @!p0 $0x1BF5;
	p2 =	por !p2, p0  }
0x20: {  	[sflag:s8] =	ssyncset.s32 @!p0 $0xFFFFF086;
	s6 =	sadd.s32 @!p0 s3, s7;
	s7 =	simm.s32 @!p0 $0x108  }
0x21: {  	s3 =	sadd.s32 s3, s9;
	s6 =	sadd.s32 @!p0 $0x88, s6;
	s7 =	simm.s32 @p2 $0x1082  }
0x22: {  	[simem:s7], [sflag:s8] =	dma.local @!p0 [hbm:s6], $0xF7A  }
0x23: {  	s9 =	sor.u32 $0xD0000000, s2;
	s6 =	simm.s32 $0x108;
	_ =	swait.ge @!p0 [sflag:s8], $0x0  }
0x24: {  	s3 =	sadd.s32 $0x88, s3;
	s6 =	simm.s32 @!p1 $0x1082;
	[sflag:s4] =	ssyncset.s32 $0xFFFFF086  }
0x25: {  	[simem:s6], [sflag:s4] =	dma.local [hbm:s3], $0xF7A  }
0x26: {  	[smem:$0x3F91] =	sst s1;
	(tag) =	ssettag s2;
	_ =	strace s9  }
0x27: {  	s1 =	sld [smem:$0x3FA1]  }
0x28: {  	s2 =	sld [smem:$0x3FA2]  }
0x29: {  	s4 =	sld [smem:$0x3FA4]  }
0x2a: {  	p0 =	seq.s32 s5, $0x0;
	s5 =	sld [smem:$0x3FA5]  }
0x2b: {  	s6 =	sld [smem:$0x3FA6]  }
0x2c: {  	s7 =	sld [smem:$0x3FA7]  }
0x2d: {  	s3 =	simm.s32 $0x108;
	s8 =	sld [smem:$0x3FA8]  }
0x2e: {  	s3 =	simm.s32 @!p0 $0x1082;
	s9 =	sld [smem:$0x3FA9]  }
0x2f: {  	lr =	sadd.s32 s0, s3;
	s0 =	sld [smem:$0x3FA0]  }
0x30: {  	s3 =	sld [smem:$0x3FA3]  }
0x31: {  	[smem:$0x3FAC] =	sst s10  }
0x32: {  	s10 =	sld [smem:$0x3FAA];
	_ =	sdelay $0x3  }
0x33: {  	p0 =	seq.s32 s10, $0x1;
	s10 =	sld [smem:$0x3FAC];
	_ =	sdelay $0x3  }
0x34: {  	[smem:$0x3FAC] =	sst s10  }
0x35: {  	s10 =	sld [smem:$0x3FAB];
	_ =	sdelay $0x3  }
0x36: {  	p1 =	seq.s32 s10, $0x1;
	s10 =	sld [smem:$0x3FAC];
	_ =	sdelay $0x3  }
0x37: {  	[smem:$0x3FAC] =	sst s10  }
0x38: {  	s10 =	sld [smem:$0x3FAD]  }
0x39: {  	_ = 	snop;
	(pc) =	sbr.ind lr, $3  }
0x3a: {  	_ = 	snop  }
0x3b: {  	_ = 	snop  }
0x3c: {  	p2 =	seq.s32 s10, $0x1;
	s10 =	sld [smem:$0x3FAC]  }
0x3d: {  	_ =	shalt  }
0x3e: {  	_ =	shalt  }
0x3f: {  	_ =	shalt  }
0x40: {  	_ =	shalt  }
0x41: {  	_ =	shalt  }
0x42: {  	_ =	shalt  }
0x43: {  	_ =	shalt  }
0x44: {  	_ =	shalt  }
0x45: {  	_ =	shalt  }
0x46: {  	_ =	shalt  }
0x47: {  	_ =	shalt  }
0x48: {  	_ =	shalt  }
0x49: {  	_ =	shalt  }
0x4a: {  	_ =	shalt  }
0x4b: {  	_ =	shalt  }
0x4c: {  	_ =	shalt  }
0x4d: {  	_ =	shalt  }
0x4e: {  	_ =	shalt  }
0x4f: {  	_ =	shalt  }
0x50: {  	_ =	shalt  }
0x51: {  	_ =	shalt  }
0x52: {  	_ =	shalt  }
0x53: {  	_ =	shalt  }
0x54: {  	_ =	shalt  }
0x55: {  	_ =	shalt  }
0x56: {  	_ =	shalt  }
0x57: {  	_ =	shalt  }
0x58: {  	_ =	shalt  }
0x59: {  	_ =	shalt  }
0x5a: {  	_ =	shalt  }
0x5b: {  	_ =	shalt  }
0x5c: {  	_ =	shalt  }
0x5d: {  	_ =	shalt  }
0x5e: {  	_ =	shalt  }
0x5f: {  	_ =	shalt  }
0x60: {  	_ =	shalt  }
0x61: {  	_ =	shalt  }
0x62: {  	_ =	shalt  }
0x63: {  	_ =	shalt  }
0x64: {  	_ =	shalt  }
0x65: {  	_ =	shalt  }
0x66: {  	_ =	shalt  }
0x67: {  	_ =	shalt  }
0x68: {  	_ =	shalt  }
0x69: {  	_ =	shalt  }
0x6a: {  	_ =	shalt  }
0x6b: {  	_ =	shalt  }
0x6c: {  	_ =	shalt  }
0x6d: {  	_ =	shalt  }
0x6e: {  	_ =	shalt  }
0x6f: {  	_ =	shalt  }
0x70: {  	_ =	shalt  }
0x71: {  	_ =	shalt  }
0x72: {  	_ =	shalt  }
0x73: {  	_ =	shalt  }
0x74: {  	_ =	shalt  }
0x75: {  	_ =	shalt  }
0x76: {  	_ =	shalt  }
0x77: {  	_ =	shalt  }
0x78: {  	_ =	shalt  }
0x79: {  	_ =	shalt  }
0x7a: {  	_ =	shalt  }
0x7b: {  	_ =	shalt  }
0x7c: {  	_ =	shalt  }
0x7d: {  	_ =	shalt  }
0x7e: {  	_ =	shalt  }
0x7f: {  	_ =	shalt  }
0x80: {  	_ =	shalt  }
0x81: {  	_ =	shalt  }
0x82: {  	_ =	shalt  }
0x83: {  	_ =	shalt  }
0x84: {  	_ =	shalt  }
0x85: {  	_ =	shalt  }
0x86: {  	_ =	shalt  }
0x87: {  	_ =	shalt  }
.Lfunc_end0:
.L_simem_size_0:
called_computation_lowered:
.L_overlay_start_0:
0x88: {  	s2 =	sld [smem:$0x3FD9]  }
0x89: {  	s3 =	sld [smem:$0x3FFE];
	_ =	sdelay $0x1  }
0x8a: {  	s1 =	srdreg.scid  }
0x8b: {  	s0 =	sand.u32 $0x1, s1  }
0x8c: {  	s15 =	sshll.u32 s0, $0xA;
	s2 =	sadd.s32 s3, s2  }
0x8d: {  	s2 =	sadd.s32 s2, s15  }
0x8e: {  	[smem:$0x3FB8] =	sst s2  }
0x8f: {  	_ = 	snop  }
0x90: {  	(tm) =	ssettm $0x1  }
0x91: {  	s16 =	sld [smem:$0x3FFB];
	_ =	sdelay $0x3  }
0x92: {  	_ =	strace s16  }
0x93: {  	s2 =	sld [smem:$0x3FFC];
	_ =	sdelay $0x3  }
0x94: {  	_ =	strace s2  }
0x95: {  	s2 =	sld [smem:$0x3FFD];
	_ =	sdelay $0x3  }
0x96: {  	_ =	strace s2  }
0x97: {  	_ =	strace $0x8FFFFFFF  }
0x98: {  	s17 =	sld [smem:$0x3FDB];
	_ =	sdelay $0x1  }
0x99: {  	s18 =	simm.s32 $_scs_section_size  }
0x9a: {  	s4 =	simm.s32 $_size__tile_overlayer_lowered;
	s5 =	simm.s32 $_tile_overlayer_lowered  }
0x9b: {  	s21 =	simm.s32 $0x1BFF;
	s20 =	sshll.u32 s5, $0x1;
	s2 =	sadd.s32 s18, s17  }
0x9c: {  	s6 =	simm.s32 $0x0;
	s19 =	sshll.u32 s4, $0x1;
	s4 =	sadd.s32 s20, s2  }
0x9d: {  	[timem:s6], [sflag:s21] =	dma.local [hbm:s4], s19  }
0x9e: {  	_ =	swait.ge [sflag:s21], s19  }
0x9f: {  	s3 =	ssub.s32 $0x0, s19;
	[sflag:s21] =	ssyncset.done $0x0  }
0xa0: {  	[sflag:s21] =	ssyncadd.s32 s3;
	_ =	sdelay $0x1  }
0xa1: {  	s22 =	simm.s32 $0x1B8B  }
0xa2: {  	_ =	swait.ge [sflag:s22], $0x1  }
0xa3: {  	[sflag:s22] =	ssyncset.done $0x0  }
0xa4: {  	s23 =	sld [smem:$0x3FFE];
	[sflag:s22] =	ssyncadd.s32 $0xFFFFFFFF  }
0xa5: {  	s25 =	simm.s32 $0x1B8E;
	s24 =	sld [smem:$0x0]  }
0xa6: {  	s26 =	simm.s32 $execute0_lowered;
	[smem:$0x3FD2] =	sst s25  }
0xa7: {  	s5 =	sshll.u32 s26, $0x1;
	_ =	strace $0x80000046;
	[dreg:$0x1] =	wrdreg $0xFFFFFFFF  }
0xa8: {  	s28 =	simm.s32 $_size_execute0_lowered;
	s2 =	sadd.s32 s2, s5;
	[dreg:$0x0] =	wrdreg $0x0  }
0xa9: {  	s5 =	sshll.u32 s28, $0x1;
	[dreg:$0x2] =	wrdreg s2  }
0xaa: {  	[dreg:$0x3] =	wrdreg s5  }
0xab: {  	[dreg:$0x4] =	wrdreg $0xC0  }
0xac: {  	_ =	task [dreg:s6], $0x5FFFF  }
0xad: {  	[dreg:$0x1] =	wrdreg $0xFFFFFFFF  }
0xae: {  	[dreg:$0x0] =	wrdreg $0x60  }
0xaf: {  	[dreg:$0x2] =	wrdreg s23  }
0xb0: {  	[dreg:$0x3] =	wrdreg s1  }
0xb1: {  	[dreg:$0x4] =	wrdreg s24  }
0xb2: {  	[dreg:$0x5] =	wrdreg $0x9  }
0xb3: {  	_ =	task.clear_ibuf [dreg:s6], $0x6FFFF;
	_ =	strace $0x90000046  }
0xb4: {  	s29 =	simm.s32 $0x9;
	_ =	strace $0x80000048  }
0xb5: {  	_ =	swait.ge [sflag:s29], $0x1  }
0xb6: {  	[sflag:s29] =	ssyncadd.s32 $0xFFFFFFFF  }
0xb7: {  	_ =	strace $0x90000048  }
0xb8: {  	_ =	sfence  }
0xb9: {  	s30 =	sld [smem:$0x0];
	_ =	sdelay $0x2  }
0xba: {  	s31 =	sshll.u32 s1, $0xD;
	s1 =	sshrl.u32 s1, $0x2  }
0xbb: {  	s3 =	sand.u32 $0x4000, s31;
	s1 =	sadd.s32 s1, s30  }
0xbc: {  	s0 =	sor.u32 s3, s0;
	s1 =	sshll.u32 s1, $0x11  }
0xbd: {  	s0 =	sor.u32 s1, s0  }
0xbe: {  	s0 =	sadd.s32 $0x8F2B, s0  }
0xbf: {  	[sflag:s0] =	ssyncadd.remote.s32 $0x1  }
0xc0: {  	_ =	sfence.sel $0xFFFF  }
0xc1: {  	[dreg:$0x0] =	wrdreg $0xFFFFFFFF;
	(pc) =	sbr.abs _section_cstart, $3  }
0xc2: {  	[dreg:$0x1] =	wrdreg $0xFFFFFFFF  }
0xc3: {  	_ =	task.clear_ibuf [dreg:s6], $0x2FFFF;
	_ =	strace $0x9FFFFFFF  }
0xc4: {  	(tm) =	ssettm $0x7FFFFFFF  }
0xc5: {  	_ =	shalt  }
tec
execute0_lowered:
.L_overlay_start_1:
0x0: {  	(tag) =	ssettag $0x1  }
0x1: {  	s11 =	rddreg [dreg:$0x0]  }
0x2: {  	s2 =	rddreg [dreg:$0x1];
	_ =	strace $0x80000047;
	s12 =	simm.s32 $0x1  }
0x3: {  	v0 =	vimm.s32 $0x0;
	[sflag:s12] =	ssyncpa.u1 $0x0  }
0x4: {  	[tilespmem:$0x28] =	vst v0  }
0x5: {  	[tilespmem:$0x38] =	vst v0  }
0x6: {  	[tilespmem:$0x48] =	vst v0  }
0x7: {  	[tilespmem:$0x58] =	vst v0  }
0x8: {  	[tilespmem:$0x68] =	vst v0  }
0x9: {  	[tilespmem:$0x78] =	vst v0  }
0xa: {  	[tilespmem:$0x88] =	vst v0  }
0xb: {  	[tilespmem:$0x98] =	vst v0  }
0xc: {  	[tilespmem:$0xA8] =	vst v0  }
0xd: {  	[tilespmem:$0xB8] =	vst v0  }
0xe: {  	[tilespmem:$0xC8] =	vst v0  }
0xf: {  	[tilespmem:$0xD8] =	vst v0  }
0x10: {  	[tilespmem:$0xE8] =	vst v0  }
0x11: {  	[tilespmem:$0xF8] =	vst v0  }
0x12: {  	[tilespmem:$0x108] =	vst v0  }
0x13: {  	[tilespmem:$0x118] =	vst v0  }
0x14: {  	[tilespmem:$0x128] =	vst v0  }
0x15: {  	[tilespmem:$0x138] =	vst v0  }
0x16: {  	[tilespmem:$0x148] =	vst v0  }
0x17: {  	[tilespmem:$0x158] =	vst v0  }
0x18: {  	[tilespmem:$0x168] =	vst v0  }
0x19: {  	[tilespmem:$0x178] =	vst v0  }
0x1a: {  	[tilespmem:$0x188] =	vst v0  }
0x1b: {  	[tilespmem:$0x198] =	vst v0  }
0x1c: {  	[tilespmem:$0x1A8] =	vst v0  }
0x1d: {  	[tilespmem:$0x1B8] =	vst v0  }
0x1e: {  	[tilespmem:$0x1C8] =	vst v0  }
0x1f: {  	[tilespmem:$0x1D8] =	vst v0  }
0x20: {  	[tilespmem:$0x1E8] =	vst v0  }
0x21: {  	[tilespmem:$0x1F8] =	vst v0  }
0x22: {  	[tilespmem:$0x208] =	vst v0  }
0x23: {  	[tilespmem:$0x218] =	vst v0  }
0x24: {  	[tilespmem:$0x228] =	vst v0  }
0x25: {  	[tilespmem:$0x238] =	vst v0  }
0x26: {  	[tilespmem:$0x248] =	vst v0  }
0x27: {  	[tilespmem:$0x258] =	vst v0  }
0x28: {  	[tilespmem:$0x268] =	vst v0  }
0x29: {  	[tilespmem:$0x278] =	vst v0  }
0x2a: {  	[tilespmem:$0x288] =	vst v0  }
0x2b: {  	[tilespmem:$0x298] =	vst v0  }
0x2c: {  	[tilespmem:$0x2A8] =	vst v0  }
0x2d: {  	[tilespmem:$0x2B8] =	vst v0  }
0x2e: {  	[tilespmem:$0x2C8] =	vst v0  }
0x2f: {  	[tilespmem:$0x2D8] =	vst v0  }
0x30: {  	[tilespmem:$0x2E8] =	vst v0  }
0x31: {  	[tilespmem:$0x2F8] =	vst v0  }
0x32: {  	[tilespmem:$0x308] =	vst v0  }
0x33: {  	[tilespmem:$0x318] =	vst v0  }
0x34: {  	[tilespmem:$0x328] =	vst v0  }
0x35: {  	[tilespmem:$0x338] =	vst v0  }
0x36: {  	[tilespmem:$0x348] =	vst v0  }
0x37: {  	[tilespmem:$0x358] =	vst v0  }
0x38: {  	[tilespmem:$0x368] =	vst v0  }
0x39: {  	[tilespmem:$0x378] =	vst v0  }
0x3a: {  	[tilespmem:$0x388] =	vst v0  }
0x3b: {  	[tilespmem:$0x398] =	vst v0  }
0x3c: {  	[tilespmem:$0x3A8] =	vst v0  }
0x3d: {  	[tilespmem:$0x3B8] =	vst v0  }
0x3e: {  	[tilespmem:$0x3C8] =	vst v0  }
0x3f: {  	[tilespmem:$0x3D8] =	vst v0  }
0x40: {  	[tilespmem:$0x3E8] =	vst v0  }
0x41: {  	[tilespmem:$0x3F8] =	vst v0  }
0x42: {  	[tilespmem:$0x408] =	vst v0  }
0x43: {  	[tilespmem:$0x418] =	vst v0  }
0x44: {  	[tilespmem:$0x428] =	vst v0  }
0x45: {  	[tilespmem:$0x438] =	vst v0  }
0x46: {  	[tilespmem:$0x448] =	vst v0  }
0x47: {  	[tilespmem:$0x458] =	vst v0  }
0x48: {  	[tilespmem:$0x468] =	vst v0  }
0x49: {  	[tilespmem:$0x478] =	vst v0  }
0x4a: {  	[tilespmem:$0x488] =	vst v0  }
0x4b: {  	[tilespmem:$0x498] =	vst v0  }
0x4c: {  	[tilespmem:$0x4A8] =	vst v0  }
0x4d: {  	[tilespmem:$0x4B8] =	vst v0  }
0x4e: {  	[tilespmem:$0x4C8] =	vst v0  }
0x4f: {  	[tilespmem:$0x4D8] =	vst v0  }
0x50: {  	[tilespmem:$0x4E8] =	vst v0  }
0x51: {  	[tilespmem:$0x4F8] =	vst v0  }
0x52: {  	[tilespmem:$0x508] =	vst v0  }
0x53: {  	[tilespmem:$0x518] =	vst v0  }
0x54: {  	[tilespmem:$0x528] =	vst v0  }
0x55: {  	[tilespmem:$0x538] =	vst v0  }
0x56: {  	[tilespmem:$0x548] =	vst v0  }
0x57: {  	[tilespmem:$0x558] =	vst v0  }
0x58: {  	[tilespmem:$0x568] =	vst v0  }
0x59: {  	[tilespmem:$0x578] =	vst v0  }
0x5a: {  	[tilespmem:$0x588] =	vst v0  }
0x5b: {  	[tilespmem:$0x598] =	vst v0  }
0x5c: {  	[tilespmem:$0x5A8] =	vst v0  }
0x5d: {  	[tilespmem:$0x5B8] =	vst v0  }
0x5e: {  	[tilespmem:$0x5C8] =	vst v0  }
0x5f: {  	[tilespmem:$0x5D8] =	vst v0  }
0x60: {  	[tilespmem:$0x5E8] =	vst v0  }
0x61: {  	[tilespmem:$0x5F8] =	vst v0  }
0x62: {  	[tilespmem:$0x608] =	vst v0  }
0x63: {  	[tilespmem:$0x618] =	vst v0  }
0x64: {  	[tilespmem:$0x628] =	vst v0  }
0x65: {  	[tilespmem:$0x638] =	vst v0  }
0x66: {  	[tilespmem:$0x648] =	vst v0  }
0x67: {  	[tilespmem:$0x658] =	vst v0  }
0x68: {  	[tilespmem:$0x668] =	vst v0  }
0x69: {  	[tilespmem:$0x678] =	vst v0  }
0x6a: {  	[tilespmem:$0x688] =	vst v0  }
0x6b: {  	[tilespmem:$0x698] =	vst v0  }
0x6c: {  	[tilespmem:$0x6A8] =	vst v0  }
0x6d: {  	[tilespmem:$0x6B8] =	vst v0  }
0x6e: {  	[tilespmem:$0x6C8] =	vst v0  }
0x6f: {  	[tilespmem:$0x6D8] =	vst v0  }
0x70: {  	[tilespmem:$0x6E8] =	vst v0  }
0x71: {  	[tilespmem:$0x6F8] =	vst v0  }
0x72: {  	[tilespmem:$0x708] =	vst v0  }
0x73: {  	[tilespmem:$0x718] =	vst v0  }
0x74: {  	[tilespmem:$0x728] =	vst v0  }
0x75: {  	[tilespmem:$0x738] =	vst v0  }
0x76: {  	[tilespmem:$0x748] =	vst v0  }
0x77: {  	[tilespmem:$0x758] =	vst v0  }
0x78: {  	[tilespmem:$0x768] =	vst v0  }
0x79: {  	[tilespmem:$0x778] =	vst v0  }
0x7a: {  	[tilespmem:$0x788] =	vst v0  }
0x7b: {  	[tilespmem:$0x798] =	vst v0  }
0x7c: {  	[tilespmem:$0x7A8] =	vst v0  }
0x7d: {  	[tilespmem:$0x7B8] =	vst v0  }
0x7e: {  	[tilespmem:$0x7C8] =	vst v0  }
0x7f: {  	[tilespmem:$0x7D8] =	vst v0  }
0x80: {  	[tilespmem:$0x7E8] =	vst v0  }
0x81: {  	[tilespmem:$0x7F8] =	vst v0  }
0x82: {  	[tilespmem:$0x808] =	vst v0  }
0x83: {  	[tilespmem:$0x818] =	vst v0  }
0x84: {  	[tilespmem:$0x828] =	vst v0  }
0x85: {  	[tilespmem:$0x838] =	vst v0  }
0x86: {  	[tilespmem:$0x848] =	vst v0  }
0x87: {  	[tilespmem:$0x858] =	vst v0  }
0x88: {  	[tilespmem:$0x868] =	vst v0  }
0x89: {  	[tilespmem:$0x878] =	vst v0  }
0x8a: {  	[tilespmem:$0x888] =	vst v0  }
0x8b: {  	[tilespmem:$0x898] =	vst v0  }
0x8c: {  	[tilespmem:$0x8A8] =	vst v0  }
0x8d: {  	[tilespmem:$0x8B8] =	vst v0  }
0x8e: {  	[tilespmem:$0x8C8] =	vst v0  }
0x8f: {  	[tilespmem:$0x8D8] =	vst v0  }
0x90: {  	[tilespmem:$0x8E8] =	vst v0  }
0x91: {  	[tilespmem:$0x8F8] =	vst v0  }
0x92: {  	[tilespmem:$0x908] =	vst v0  }
0x93: {  	[tilespmem:$0x918] =	vst v0  }
0x94: {  	[tilespmem:$0x928] =	vst v0  }
0x95: {  	[tilespmem:$0x938] =	vst v0  }
0x96: {  	[tilespmem:$0x948] =	vst v0  }
0x97: {  	[tilespmem:$0x958] =	vst v0  }
0x98: {  	[tilespmem:$0x968] =	vst v0  }
0x99: {  	[tilespmem:$0x978] =	vst v0  }
0x9a: {  	[tilespmem:$0x988] =	vst v0  }
0x9b: {  	[tilespmem:$0x998] =	vst v0  }
0x9c: {  	[tilespmem:$0x9A8] =	vst v0  }
0x9d: {  	[tilespmem:$0x9B8] =	vst v0  }
0x9e: {  	[tilespmem:$0x9C8] =	vst v0  }
0x9f: {  	[tilespmem:$0x9D8] =	vst v0  }
0xa0: {  	[tilespmem:$0x9E8] =	vst v0  }
0xa1: {  	[tilespmem:$0x9F8] =	vst v0  }
0xa2: {  	[tilespmem:$0xA08] =	vst v0  }
0xa3: {  	[tilespmem:$0xA18] =	vst v0  }
0xa4: {  	[tilespmem:$0xA28] =	vst v0  }
0xa5: {  	[tilespmem:$0xA38] =	vst v0  }
0xa6: {  	[tilespmem:$0xA48] =	vst v0  }
0xa7: {  	[tilespmem:$0xA58] =	vst v0  }
0xa8: {  	[tilespmem:$0xA68] =	vst v0  }
0xa9: {  	[tilespmem:$0xA78] =	vst v0  }
0xaa: {  	[tilespmem:$0xA88] =	vst v0  }
0xab: {  	[tilespmem:$0xA98] =	vst v0  }
0xac: {  	[tilespmem:$0xAA8] =	vst v0  }
0xad: {  	[tilespmem:$0xAB8] =	vst v0  }
0xae: {  	[tilespmem:$0xAC8] =	vst v0  }
0xaf: {  	[tilespmem:$0xAD8] =	vst v0  }
0xb0: {  	[tilespmem:$0xAE8] =	vst v0  }
0xb1: {  	[tilespmem:$0xAF8] =	vst v0  }
0xb2: {  	[tilespmem:$0xB08] =	vst v0  }
0xb3: {  	[tilespmem:$0xB18] =	vst v0  }
0xb4: {  	[tilespmem:$0xB28] =	vst v0  }
0xb5: {  	[tilespmem:$0xB38] =	vst v0  }
0xb6: {  	[tilespmem:$0xB48] =	vst v0  }
0xb7: {  	[tilespmem:$0xB58] =	vst v0  }
0xb8: {  	[tilespmem:$0xB68] =	vst v0  }
0xb9: {  	[tilespmem:$0xB78] =	vst v0  }
0xba: {  	[tilespmem:$0xB88] =	vst v0  }
0xbb: {  	[tilespmem:$0xB98] =	vst v0  }
0xbc: {  	[tilespmem:$0xBA8] =	vst v0  }
0xbd: {  	[tilespmem:$0xBB8] =	vst v0  }
0xbe: {  	[tilespmem:$0xBC8] =	vst v0  }
0xbf: {  	[tilespmem:$0xBD8] =	vst v0  }
0xc0: {  	[tilespmem:$0xBE8] =	vst v0  }
0xc1: {  	[tilespmem:$0xBF8] =	vst v0  }
0xc2: {  	[tilespmem:$0xC08] =	vst v0  }
0xc3: {  	[tilespmem:$0xC18] =	vst v0  }
0xc4: {  	[tilespmem:$0xC28] =	vst v0  }
0xc5: {  	[tilespmem:$0xC38] =	vst v0  }
0xc6: {  	[tilespmem:$0xC48] =	vst v0  }
0xc7: {  	[tilespmem:$0xC58] =	vst v0  }
0xc8: {  	[tilespmem:$0xC68] =	vst v0  }
0xc9: {  	[tilespmem:$0xC78] =	vst v0  }
0xca: {  	[tilespmem:$0xC88] =	vst v0  }
0xcb: {  	[tilespmem:$0xC98] =	vst v0  }
0xcc: {  	[tilespmem:$0xCA8] =	vst v0  }
0xcd: {  	[tilespmem:$0xCB8] =	vst v0  }
0xce: {  	[tilespmem:$0xCC8] =	vst v0  }
0xcf: {  	[tilespmem:$0xCD8] =	vst v0  }
0xd0: {  	[tilespmem:$0xCE8] =	vst v0  }
0xd1: {  	[tilespmem:$0xCF8] =	vst v0  }
0xd2: {  	[tilespmem:$0xD08] =	vst v0  }
0xd3: {  	[tilespmem:$0xD18] =	vst v0  }
0xd4: {  	[tilespmem:$0xD28] =	vst v0  }
0xd5: {  	[tilespmem:$0xD38] =	vst v0  }
0xd6: {  	[tilespmem:$0xD48] =	vst v0  }
0xd7: {  	[tilespmem:$0xD58] =	vst v0  }
0xd8: {  	[tilespmem:$0xD68] =	vst v0  }
0xd9: {  	[tilespmem:$0xD78] =	vst v0  }
0xda: {  	[tilespmem:$0xD88] =	vst v0  }
0xdb: {  	[tilespmem:$0xD98] =	vst v0  }
0xdc: {  	[tilespmem:$0xDA8] =	vst v0  }
0xdd: {  	[tilespmem:$0xDB8] =	vst v0  }
0xde: {  	[tilespmem:$0xDC8] =	vst v0  }
0xdf: {  	[tilespmem:$0xDD8] =	vst v0  }
0xe0: {  	[tilespmem:$0xDE8] =	vst v0  }
0xe1: {  	[tilespmem:$0xDF8] =	vst v0  }
0xe2: {  	[tilespmem:$0xE08] =	vst v0  }
0xe3: {  	[tilespmem:$0xE18] =	vst v0  }
0xe4: {  	[tilespmem:$0xE28] =	vst v0  }
0xe5: {  	[tilespmem:$0xE38] =	vst v0  }
0xe6: {  	[tilespmem:$0xE48] =	vst v0  }
0xe7: {  	[tilespmem:$0xE58] =	vst v0  }
0xe8: {  	[tilespmem:$0xE68] =	vst v0  }
0xe9: {  	[tilespmem:$0xE78] =	vst v0  }
0xea: {  	[tilespmem:$0xE88] =	vst v0  }
0xeb: {  	[tilespmem:$0xE98] =	vst v0  }
0xec: {  	[tilespmem:$0xEA8] =	vst v0  }
0xed: {  	[tilespmem:$0xEB8] =	vst v0  }
0xee: {  	[tilespmem:$0xEC8] =	vst v0  }
0xef: {  	[tilespmem:$0xED8] =	vst v0  }
0xf0: {  	[tilespmem:$0xEE8] =	vst v0  }
0xf1: {  	[tilespmem:$0xEF8] =	vst v0  }
0xf2: {  	[tilespmem:$0xF08] =	vst v0  }
0xf3: {  	[tilespmem:$0xF18] =	vst v0  }
0xf4: {  	[tilespmem:$0xF28] =	vst v0  }
0xf5: {  	[tilespmem:$0xF38] =	vst v0  }
0xf6: {  	[tilespmem:$0xF48] =	vst v0  }
0xf7: {  	[tilespmem:$0xF58] =	vst v0  }
0xf8: {  	[tilespmem:$0xF68] =	vst v0  }
0xf9: {  	[tilespmem:$0xF78] =	vst v0  }
0xfa: {  	[tilespmem:$0xF88] =	vst v0  }
0xfb: {  	[tilespmem:$0xF98] =	vst v0  }
0xfc: {  	[tilespmem:$0xFA8] =	vst v0  }
0xfd: {  	[tilespmem:$0xFB8] =	vst v0  }
0xfe: {  	[tilespmem:$0xFC8] =	vst v0  }
0xff: {  	[tilespmem:$0xFD8] =	vst v0  }
0x100: {  	[tilespmem:$0xFE8] =	vst v0  }
0x101: {  	[tilespmem:$0xFF8] =	vst v0  }
0x102: {  	[tilespmem:$0x1018] =	vst v0  }
0x103: {  	[tilespmem:$0x10D8] =	vst v0  }
0x104: {  	[tilespmem:$0x1B28] =	vst v0  }
0x105: {  	[tilespmem:$0x1B18] =	vst v0  }
0x106: {  	[tilespmem:$0x1B08] =	vst v0  }
0x107: {  	[tilespmem:$0x1AF8] =	vst v0  }
0x108: {  	[tilespmem:$0x1AE8] =	vst v0  }
0x109: {  	[tilespmem:$0x1AD8] =	vst v0  }
0x10a: {  	[tilespmem:$0x1AC8] =	vst v0  }
0x10b: {  	[tilespmem:$0x1AB8] =	vst v0  }
0x10c: {  	[tilespmem:$0x1AA8] =	vst v0  }
0x10d: {  	[tilespmem:$0x1A98] =	vst v0  }
0x10e: {  	[tilespmem:$0x1A88] =	vst v0  }
0x10f: {  	[tilespmem:$0x1A78] =	vst v0  }
0x110: {  	[tilespmem:$0x1A68] =	vst v0  }
0x111: {  	[tilespmem:$0x1A58] =	vst v0  }
0x112: {  	[tilespmem:$0x1A48] =	vst v0  }
0x113: {  	[tilespmem:$0x1A38] =	vst v0  }
0x114: {  	[tilespmem:$0x1A28] =	vst v0  }
0x115: {  	[tilespmem:$0x1A18] =	vst v0  }
0x116: {  	[tilespmem:$0x1A08] =	vst v0  }
0x117: {  	[tilespmem:$0x19F8] =	vst v0  }
0x118: {  	[tilespmem:$0x19E8] =	vst v0  }
0x119: {  	[tilespmem:$0x19D8] =	vst v0  }
0x11a: {  	[tilespmem:$0x19C8] =	vst v0  }
0x11b: {  	[tilespmem:$0x19B8] =	vst v0  }
0x11c: {  	[tilespmem:$0x19A8] =	vst v0  }
0x11d: {  	[tilespmem:$0x1998] =	vst v0  }
0x11e: {  	[tilespmem:$0x1988] =	vst v0  }
0x11f: {  	[tilespmem:$0x1978] =	vst v0  }
0x120: {  	[tilespmem:$0x1968] =	vst v0  }
0x121: {  	[tilespmem:$0x1958] =	vst v0  }
0x122: {  	[tilespmem:$0x1948] =	vst v0  }
0x123: {  	[tilespmem:$0x1938] =	vst v0  }
0x124: {  	[tilespmem:$0x1928] =	vst v0  }
0x125: {  	[tilespmem:$0x1918] =	vst v0  }
0x126: {  	[tilespmem:$0x1908] =	vst v0  }
0x127: {  	[tilespmem:$0x18F8] =	vst v0  }
0x128: {  	[tilespmem:$0x18E8] =	vst v0  }
0x129: {  	[tilespmem:$0x18D8] =	vst v0  }
0x12a: {  	[tilespmem:$0x18C8] =	vst v0  }
0x12b: {  	[tilespmem:$0x18B8] =	vst v0  }
0x12c: {  	[tilespmem:$0x18A8] =	vst v0  }
0x12d: {  	[tilespmem:$0x1898] =	vst v0  }
0x12e: {  	[tilespmem:$0x1888] =	vst v0  }
0x12f: {  	[tilespmem:$0x1878] =	vst v0  }
0x130: {  	[tilespmem:$0x1868] =	vst v0  }
0x131: {  	[tilespmem:$0x1858] =	vst v0  }
0x132: {  	[tilespmem:$0x1848] =	vst v0  }
0x133: {  	[tilespmem:$0x1838] =	vst v0  }
0x134: {  	[tilespmem:$0x1828] =	vst v0  }
0x135: {  	[tilespmem:$0x1818] =	vst v0  }
0x136: {  	[tilespmem:$0x1808] =	vst v0  }
0x137: {  	[tilespmem:$0x17F8] =	vst v0  }
0x138: {  	[tilespmem:$0x17E8] =	vst v0  }
0x139: {  	[tilespmem:$0x17D8] =	vst v0  }
0x13a: {  	[tilespmem:$0x17C8] =	vst v0  }
0x13b: {  	[tilespmem:$0x17B8] =	vst v0  }
0x13c: {  	[tilespmem:$0x17A8] =	vst v0  }
0x13d: {  	[tilespmem:$0x1798] =	vst v0  }
0x13e: {  	[tilespmem:$0x1788] =	vst v0  }
0x13f: {  	[tilespmem:$0x1778] =	vst v0  }
0x140: {  	[tilespmem:$0x1768] =	vst v0  }
0x141: {  	[tilespmem:$0x1758] =	vst v0  }
0x142: {  	[tilespmem:$0x1748] =	vst v0  }
0x143: {  	[tilespmem:$0x1738] =	vst v0  }
0x144: {  	[tilespmem:$0x1728] =	vst v0  }
0x145: {  	[tilespmem:$0x1718] =	vst v0  }
0x146: {  	[tilespmem:$0x1708] =	vst v0  }
0x147: {  	[tilespmem:$0x16F8] =	vst v0  }
0x148: {  	[tilespmem:$0x16E8] =	vst v0  }
0x149: {  	[tilespmem:$0x16D8] =	vst v0  }
0x14a: {  	[tilespmem:$0x16C8] =	vst v0  }
0x14b: {  	[tilespmem:$0x16B8] =	vst v0  }
0x14c: {  	[tilespmem:$0x16A8] =	vst v0  }
0x14d: {  	[tilespmem:$0x1698] =	vst v0  }
0x14e: {  	[tilespmem:$0x1688] =	vst v0  }
0x14f: {  	[tilespmem:$0x1678] =	vst v0  }
0x150: {  	[tilespmem:$0x1668] =	vst v0  }
0x151: {  	[tilespmem:$0x1658] =	vst v0  }
0x152: {  	[tilespmem:$0x1648] =	vst v0  }
0x153: {  	[tilespmem:$0x1638] =	vst v0  }
0x154: {  	[tilespmem:$0x1628] =	vst v0  }
0x155: {  	[tilespmem:$0x1618] =	vst v0  }
0x156: {  	[tilespmem:$0x1608] =	vst v0  }
0x157: {  	[tilespmem:$0x15F8] =	vst v0  }
0x158: {  	[tilespmem:$0x15E8] =	vst v0  }
0x159: {  	[tilespmem:$0x15D8] =	vst v0  }
0x15a: {  	[tilespmem:$0x15C8] =	vst v0  }
0x15b: {  	[tilespmem:$0x15B8] =	vst v0  }
0x15c: {  	[tilespmem:$0x15A8] =	vst v0  }
0x15d: {  	[tilespmem:$0x1598] =	vst v0  }
0x15e: {  	[tilespmem:$0x1588] =	vst v0  }
0x15f: {  	[tilespmem:$0x1578] =	vst v0  }
0x160: {  	[tilespmem:$0x1568] =	vst v0  }
0x161: {  	[tilespmem:$0x1558] =	vst v0  }
0x162: {  	[tilespmem:$0x1548] =	vst v0  }
0x163: {  	[tilespmem:$0x1538] =	vst v0  }
0x164: {  	[tilespmem:$0x1528] =	vst v0  }
0x165: {  	[tilespmem:$0x1518] =	vst v0  }
0x166: {  	[tilespmem:$0x1508] =	vst v0  }
0x167: {  	[tilespmem:$0x14F8] =	vst v0  }
0x168: {  	[tilespmem:$0x14E8] =	vst v0  }
0x169: {  	[tilespmem:$0x14D8] =	vst v0  }
0x16a: {  	[tilespmem:$0x14C8] =	vst v0  }
0x16b: {  	[tilespmem:$0x14B8] =	vst v0  }
0x16c: {  	[tilespmem:$0x14A8] =	vst v0  }
0x16d: {  	[tilespmem:$0x1498] =	vst v0  }
0x16e: {  	[tilespmem:$0x1488] =	vst v0  }
0x16f: {  	[tilespmem:$0x1478] =	vst v0  }
0x170: {  	[tilespmem:$0x1468] =	vst v0  }
0x171: {  	[tilespmem:$0x1458] =	vst v0  }
0x172: {  	[tilespmem:$0x1448] =	vst v0  }
0x173: {  	[tilespmem:$0x1438] =	vst v0  }
0x174: {  	[tilespmem:$0x1428] =	vst v0  }
0x175: {  	[tilespmem:$0x1418] =	vst v0  }
0x176: {  	[tilespmem:$0x1408] =	vst v0  }
0x177: {  	[tilespmem:$0x13F8] =	vst v0  }
0x178: {  	[tilespmem:$0x13E8] =	vst v0  }
0x179: {  	[tilespmem:$0x13D8] =	vst v0  }
0x17a: {  	[tilespmem:$0x13C8] =	vst v0  }
0x17b: {  	[tilespmem:$0x13B8] =	vst v0  }
0x17c: {  	[tilespmem:$0x13A8] =	vst v0  }
0x17d: {  	[tilespmem:$0x1398] =	vst v0  }
0x17e: {  	[tilespmem:$0x1388] =	vst v0  }
0x17f: {  	[tilespmem:$0x1378] =	vst v0  }
0x180: {  	[tilespmem:$0x1368] =	vst v0  }
0x181: {  	[tilespmem:$0x1358] =	vst v0  }
0x182: {  	[tilespmem:$0x1348] =	vst v0  }
0x183: {  	[tilespmem:$0x1338] =	vst v0  }
0x184: {  	[tilespmem:$0x1328] =	vst v0  }
0x185: {  	[tilespmem:$0x1318] =	vst v0  }
0x186: {  	[tilespmem:$0x1308] =	vst v0  }
0x187: {  	[tilespmem:$0x12F8] =	vst v0  }
0x188: {  	[tilespmem:$0x12E8] =	vst v0  }
0x189: {  	[tilespmem:$0x12D8] =	vst v0  }
0x18a: {  	[tilespmem:$0x12C8] =	vst v0  }
0x18b: {  	[tilespmem:$0x12B8] =	vst v0  }
0x18c: {  	[tilespmem:$0x12A8] =	vst v0  }
0x18d: {  	[tilespmem:$0x1298] =	vst v0  }
0x18e: {  	[tilespmem:$0x1288] =	vst v0  }
0x18f: {  	[tilespmem:$0x1278] =	vst v0  }
0x190: {  	[tilespmem:$0x1268] =	vst v0  }
0x191: {  	[tilespmem:$0x1258] =	vst v0  }
0x192: {  	[tilespmem:$0x1248] =	vst v0  }
0x193: {  	[tilespmem:$0x1238] =	vst v0  }
0x194: {  	[tilespmem:$0x1228] =	vst v0  }
0x195: {  	[tilespmem:$0x1218] =	vst v0  }
0x196: {  	[tilespmem:$0x1208] =	vst v0  }
0x197: {  	[tilespmem:$0x11F8] =	vst v0  }
0x198: {  	[tilespmem:$0x11E8] =	vst v0  }
0x199: {  	[tilespmem:$0x11D8] =	vst v0  }
0x19a: {  	[tilespmem:$0x11C8] =	vst v0  }
0x19b: {  	[tilespmem:$0x11B8] =	vst v0  }
0x19c: {  	[tilespmem:$0x11A8] =	vst v0  }
0x19d: {  	[tilespmem:$0x1198] =	vst v0  }
0x19e: {  	[tilespmem:$0x1188] =	vst v0  }
0x19f: {  	[tilespmem:$0x1178] =	vst v0  }
0x1a0: {  	[tilespmem:$0x1168] =	vst v0  }
0x1a1: {  	[tilespmem:$0x1158] =	vst v0  }
0x1a2: {  	[tilespmem:$0x1148] =	vst v0  }
0x1a3: {  	[tilespmem:$0x1138] =	vst v0  }
0x1a4: {  	[tilespmem:$0x1128] =	vst v0  }
0x1a5: {  	s4 =	stileid.u32;
	[tilespmem:$0x1118] =	vst v0  }
0x1a6: {  	s0 =	smin.u32 s4, $0x3;
	[tilespmem:$0x1108] =	vst v0  }
0x1a7: {  	[tilespmem:$0x10F8] =	vst v0;
	s0 =	sadd.s32 s4, s0  }
0x1a8: {  	s1 =	simm.s32 $0x1B0;
	p0 =	sgt.u32 s4, $0x2;
	[tilespmem:$0x10E8] =	vst v0;
	s6 =	smul.u32 $0x1B0, s0  }
0x1a9: {  	s1 =	simm.s32 @!p0 $0x360;
	[tilespmem:$0x10C8] =	vst v0  }
0x1aa: {  	[tilespmem:$0x1038] =	vst v0;
	s0 =	sadd.s32 s1, s6  }
0x1ab: {  	[tilespmem:$0x10B8] =	vst v0;
	s7 =	smin.u32 s0, $0x2000  }
0x1ac: {  	[tilespmem:$0x10A8] =	vst v0;
	s0 =	ssub.s32 s7, s6  }
0x1ad: {  	s3 =	simm.s32 $0x2;
	[tilespmem:$0x1098] =	vst v0;
	p0 =	sgt.s32 s0, $0x0  }
0x1ae: {  	s8 =	simm.s32 $0x9;
	s10 =	simm.s32 $0xA;
	[tilespmem:$0x1088] =	vst v0;
	s0 =	simm.s32 @!p0 $0x0  }
0x1af: {  	s30 =	simm.s32 $0xB;
	s16 =	simm.s32 $0x0;
	[tilespmem:$0x1078] =	vst v0;
	s29 =	sand.u32 $0xFFF0, s0  }
0x1b0: {  	p4 =	por $0x0, $0x0;
	s17 =	simm.s32 $0xC;
	[tilespmem:$0x1068] =	vst v0;
	s1 =	sshrl.u32 s29, $0x4  }
0x1b1: {  	s21 =	simm.s32 $0x0;
	s18 =	simm.s32 $0x0;
	[tilespmem:$0x1058] =	vst v0;
	s1 =	smul.u32 $0x12F7, s1  }
0x1b2: {  	s20 =	simm.s32 $0x0;
	s2 =	sand.u32 $0x1, s2;
	s31 =	sshll.u32 s4, $0x5;
	[tilespmem:$0x1048] =	vst v0  }
0x1b3: {  	[tilespmem:$0x1028] =	vst v0;
	[dreg:$0x5] =	wrdreg s2;
	s2 =	sshll.u32 s2, $0xA;
	s1 =	sshrl.u32 s1, $0x11  }
0x1b4: {  	[tilespmem:$0x1008] =	vst v0;
	[sflag:s3] =	ssyncpa.u1 $0x0;
	s3 =	sadd.s32 $0x45400, s11;
	s5 =	smul.u32 $0x1B0, s1  }
.Ltmp0:
0x1b5: {  	v0 =	vimm.s32 $0xFFFFFFFF;
	[dreg:$0x4] =	wrdreg s31;
	s2 =	sadd.s32 s2, s11;
	(pc) =	sbr.rel .LBB2_1-.Ltmp0, $4  }
0x1b6: {  	[tilespmem:$0x3648] =	vst v0;
	[sflag:s8] =	ssyncpa.u1 $0x0;
	s11 =	sadd.s32 $0x4400, s11;
	p0 =	sne.s32 s0, s5  }
0x1b7: {  	[sflag:s10] =	ssyncpa.u1 $0x0;
	s13 =	sadd.s32 $0x44C00, s2;
	s12 =	simm.s32 @!p0 $0x0  }
0x1b8: {  	s14 =	sadd.s32 $0x44400, s2;
	[sflag:s30] =	ssyncpa.u1 $0x0;
	s12 =	sadd.s32 s1, s12  }
0x1b9: {  	v0 =	vlaneseq.u32;
	s19 =	smov.u32 s6;
	p0 =	por $0x1, $0x1;
	s15 =	sadd.s32 $0x1, s12  }
.LBB2_18:
0x1ba: {  	s0 =	simm.s32 $0x2  }
0x1bb: {  	_ =	swait.ge [sflag:s0], $0x0  }
0x1bc: {  	[sflag:s0] =	ssyncset.done $0x0;
	s0 =	simm.s32 $0x0  }
.LBB2_19:
0x1bd: {  	_ =	swait.ge [sflag:s17], s0  }
0x1be: {  	s31 =	ssub.s32 $0x0, s0;
	v1 =	vmov s23;
	vm0 =	veq.s32 v0, $0x0;
	[sflag:s17] =	ssyncset.done $0x0  }
0x1bf: {  	vm15 =	veq.s32 v0, $0x2;
	v1 =	vsel vm0, s29, v1;
	[sflag:s17] =	ssyncadd.s32 s31  }
0x1c0: {  	v1 =	vsel vm15, s21, v1;
	[sflag:s17] =	ssyncpa.u1 $0x1  }
0x1c1: {  	[tilespmem:$0x3648] =	vst v1  }
.LBB2_20:
0x1c2: {  	s0 =	sadd.s32 $0x1B0, s19  }
0x1c3: {  	s1 =	smov.u32 s6;
	p1 =	slt.s32 s0, s7  }
0x1c4: {  	s1 =	smov.u32 @p1 s0;
	p1 =	sne.s32 s20, s15  }
.Ltmp1:
0x1c5: {  	_ = 	snop;
	(pc) =	sbr.rel @!p1 .LBB2_21-.Ltmp1, $4  }
0x1c6: {  	_ = 	snop  }
0x1c7: {  	s21 =	smov.u32 s18  }
0x1c8: {  	s31 =	sadd.s32 $0x1, s20;
	s18 =	smov.u32 s19;
	p0 =	por !p0, !p0  }
0x1c9: {  	p4 =	por !p4, !p4;
	s20 =	smov.u32 s31;
	s19 =	smov.u32 s1  }
.LBB2_1:
0x1ca: {  	p2 =	sge.u32 s20, s12  }
0x1cb: {  	s0 =	smulhi.u32 @!p2 $0xAAAAAAAB, s20  }
0x1cc: {  	s1 =	smov.u32 s19;
	p3 =	sgt.s32 @!p2 s19, $0x1E50  }
0x1cd: {  	s2 =	sshra.s32 @!p2 s19, $0x1F;
	p3 =	por !p3, p2;
	s0 =	sshrl.u32 @!p2 s0, $0x1  }
0x1ce: {  	s2 =	sand.u32 @!p2 s2, s19;
	s1 =	simm.s32 @p3 $0x1E50;
	s0 =	smul.u32 @!p2 $0x3, s0  }
0x1cf: {  	s1 =	ssub.s32 @!p2 s1, s2  }
0x1d0: {  	s23 =	sadd.s32 $0xFFFFFFFF, s20;
	s1 =	sadd.s32 @!p2 $0xFFFFE1B0, s1;
	s0 =	ssub.s32 @!p2 s20, s0  }
0x1d1: {  	s2 =	sshll.u32 @!p2 s1, $0x2;
	p3 =	sgt.s32 @!p2 s1, $0x1AF;
	s0 =	smul.u32 @!p2 $0x6C0, s0  }
0x1d2: {  	s5 =	sand.u32 @!p2 $0x7, s19;
	s1 =	ssub.s32 @!p2 $0x6C0, s2;
	p3 =	por !p3, p2  }
0x1d3: {  	s2 =	sshrl.u32 @!p2 s19, $0x3;
	s1 =	sshrl.u32 @!p2 s1, $0x2;
	s0 =	sshrl.u32 @!p2 s0, $0x2  }
0x1d4: {  	s2 =	sadd.s32 @!p2 s2, s13;
	s1 =	simm.s32 @!p3 $0x0;
	s0 =	sadd.s32 @!p2 $0x3888, s0  }
0x1d5: {  	[tilespmem:s0], [sflag:$0xA] =	stream.linear.gather @!p2 [hbm4b:s2+s5], s1, $0x38;
	[tilespmem:$0x1F0F8] =	vst v63  }
0x1d6: {  	p2 =	sge.u32 s23, s12  }
0x1d7: {  	p3 =	sgt.s32 @!p2 s18, $0x1E50  }
0x1d8: {  	s0 =	smov.u32 s18;
	s1 =	sshra.s32 @!p2 s18, $0x1F;
	p3 =	por !p3, p2  }
0x1d9: {  	s1 =	sand.u32 @!p2 s1, s18;
	s0 =	simm.s32 @p3 $0x1E50  }
0x1da: {  	s0 =	ssub.s32 @!p2 s0, s1  }
0x1db: {  	s0 =	sadd.s32 @!p2 $0xFFFFE1B0, s0  }
0x1dc: {  	s1 =	sshll.u32 @!p2 s0, $0x2  }
0x1dd: {  	p3 =	sgt.s32 @!p2 s0, $0x1AF;
	s0 =	ssub.s32 @!p2 $0x6C0, s1  }
0x1de: {  	s22 =	ssub.s32 @!p2 $0x2000, s18;
	p3 =	por !p3, p2;
	s0 =	sshrl.u32 @!p2 s0, $0x2  }
0x1df: {  	s1 =	sand.u32 @!p2 $0x1, s23;
	s0 =	simm.s32 @!p3 $0x0;
	p3 =	slt.s32 @!p2 s22, $0x1  }
0x1e0: {  	s2 =	simm.s32 @!p2 $0xA;
	s1 =	smul.u32 @!p2 $0x6C0, s1;
	p3 =	por p2, p3  }
.Ltmp2:
0x1e1: {  	_ =	swait.ge @!p2 [sflag:s2], s0;
	(pc) =	sbr.rel @p3 .LBB2_7-.Ltmp2, $4  }
0x1e2: {  	s5 =	ssub.s32 @!p2 $0x0, s0;
	[sflag:s2] =	ssyncset.done @!p2 $0x0  }
0x1e3: {  	s1 =	sshrl.u32 @!p2 s1, $0x2;
	[sflag:s2] =	ssyncadd.s32 @!p2 s5;
	s2 =	sshrl.u32 @!p2 s18, $0x3  }
0x1e4: {  	s1 =	sadd.s32 @!p2 $0x3D98, s1;
	s5 =	sand.u32 @!p2 $0x7, s18;
	s2 =	sadd.s32 @!p2 s2, s14  }
0x1e5: {  	[tilespmem:s1], [sflag:$0xB] =	stream.linear.gather @!p2 [hbm4b:s2+s5], s0, $0x38;
	[tilespmem:$0x1F0F8] =	vst v63  }
0x1e6: {  	s0 =	smulhi.u32 $0xAAAAAAAB, s23;
	_ =	sdelay $0x1  }
0x1e7: {  	s0 =	sshrl.u32 s0, $0x1  }
0x1e8: {  	s0 =	smul.u32 $0x3, s0;
	_ =	sdelay $0x1  }
0x1e9: {  	s0 =	ssub.s32 s23, s0  }
0x1ea: {  	s1 =	simm.s32 $0x1;
	s0 =	smul.u32 $0x6C0, s0  }
.Ltmp3:
0x1eb: {  	s1 =	simm.s32 @!p0 $0x0;
	(pc) =	sbr.rel .LBB2_4-.Ltmp3, $4  }
0x1ec: {  	s1 =	smul.u32 $0x36000, s1  }
0x1ed: {  	p3 =	slt.s32 @!p2 s22, $0x1B0;
	s0 =	sshrl.u32 s0, $0x2  }
0x1ee: {  	p2 =	por !p3, p2;
	s1 =	sshrl.u32 s1, $0x2;
	s0 =	sadd.s32 $0x3888, s0  }
0x1ef: {  	s24 =	simm.s32 $0x0;
	s22 =	simm.s32 @p2 $0x1B0;
	s23 =	sadd.s32 $0x40F8, s1;
	v1 =	vmov s0  }
.LBB2_3:
0x1f0: {  	p2 =	sge.s32 s24, s22  }
.Ltmp4:
0x1f1: {  	_ = 	snop;
	(pc) =	sbr.rel @p2 .LBB2_7-.Ltmp4, $2  }
0x1f2: {  	_ =	sdelay $0x2  }
0x1f3: {  	s23 =	sadd.s32 $0x800, s23  }
.LBB2_4:
0x1f4: {  	p2 =	sle.s32 s22, s24  }
.Ltmp5:
0x1f5: {  	_ = 	snop;
	(pc) =	sbr.rel @p2 .LBB2_3-.Ltmp5, $2  }
0x1f6: {  	_ =	sdelay $0x2  }
0x1f7: {  	s0 =	smov.u32 s24;
	s24 =	sadd.s32 $0x10, s24  }
0x1f8: {  	s1 =	ssub.s32 s22, s0  }
0x1f9: {  	p2 =	slt.s32 s1, $0x10  }
0x1fa: {  	s1 =	simm.s32 @!p2 $0x10  }
0x1fb: {  	v2 =	vmov s1  }
0x1fc: {  	vm0 =	vgt.s32 v2, v0;
	_ =	sdelay $0x5  }
0x1fd: {  	v2 =	vld.idx.msk [tilespmem:v1+s0+$0x0 ss:$0x1], vm0;
	_ =	sdelay $0x2  }
0x1fe: {  	p2 =	slt.s32 s24, s22;
	s1 =	smov.u32 s22  }
0x1ff: {  	s2 =	smov.u32 s23;
	s25 =	simm.s32 $0x0;
	s1 =	smov.u32 @p2 s24  }
.LBB2_6:
0x200: {  	(v2sf) =	vpush v2, s25;
	_ =	sdelay $0xc  }
0x201: {  	s25 =	sadd.s32 $0x1, s25  }
0x202: {  	s31 =	sadd.s32 s25, s0  }
0x203: {  	p2 =	slt.s32 s31, s1;
	s5 =	spop (v2sf)  }
.Ltmp6:
0x204: {  	s5 =	sshll.u32 s5, $0x4;
	(pc) =	sbr.rel @p2 .LBB2_6-.Ltmp6, $4  }
0x205: {  	s5 =	sand.u32 $0x1FFFFFF0, s5  }
0x206: {  	s5 =	sadd.s32 s11, s5  }
0x207: {  	[tilespmem:s2], [sflag:$0x9] =	stream.linear.gather [hbm4b:s5+s16], $0x4, $0x38;
	[tilespmem:$0x1F0F8] =	vst v63  }
0x208: {  	s2 =	sadd.s32 $0x80, s2  }
.Ltmp7:
0x209: {  	_ = 	snop;
	(pc) =	sbr.rel .LBB2_3-.Ltmp7, $1  }
0x20a: {  	_ =	sdelay $0x3  }
.LBB2_7:
0x20b: {  	p2 =	slt.u32 s20, $0x2  }
.Ltmp8:
0x20c: {  	_ = 	snop;
	(pc) =	sbr.rel @p2 .LBB2_20-.Ltmp8, $1  }
0x20d: {  	_ =	sdelay $0x3  }
0x20e: {  	p2 =	sgt.s32 s21, $0x1E50  }
0x20f: {  	s0 =	smov.u32 s21;
	s1 =	sshra.s32 s21, $0x1F;
	s2 =	ssub.s32 $0x2000, s21  }
0x210: {  	s0 =	simm.s32 @!p2 $0x1E50;
	s1 =	sand.u32 s1, s21;
	p2 =	slt.s32 s2, $0x1B0  }
0x211: {  	s0 =	ssub.s32 s0, s1;
	s2 =	simm.s32 @!p2 $0x1B0  }
0x212: {  	s0 =	sadd.s32 $0xFFFFE1B0, s0;
	s24 =	sshll.u32 s2, $0x2  }
0x213: {  	s29 =	simm.s32 $0x9;
	s25 =	sshll.u32 s0, $0x2;
	s1 =	sand.u32 $0x3FFFFFFC, s24  }
0x214: {  	p2 =	sgt.s32 s0, $0x1AF;
	s26 =	ssub.s32 $0x6C0, s25;
	_ =	swait.ge [sflag:s29], s1  }
0x215: {  	s1 =	ssub.s32 $0x0, s1;
	[sflag:s29] =	ssyncset.done $0x0;
	s0 =	sshrl.u32 s26, $0x2  }
0x216: {  	s30 =	simm.s32 $0xB;
	[sflag:s29] =	ssyncadd.s32 s1;
	s0 =	simm.s32 @p2 $0x0  }
0x217: {  	_ =	swait.ge [sflag:s30], s0  }
0x218: {  	s0 =	ssub.s32 $0x0, s0;
	[sflag:s30] =	ssyncset.done $0x0  }
0x219: {  	[sflag:s30] =	ssyncadd.s32 s0  }
0x21a: {  	v1 =	vld [tilespmem:$0x3648];
	_ =	sdelay $0x4  }
0x21b: {  	(v2sf) =	vpush v1, $0x0  }
0x21c: {  	(v2sf) =	vpush v1, $0x1  }
0x21d: {  	(v2sf) =	vpush v1, $0x2;
	_ =	sdelay $0x3  }
0x21e: {  	s0 =	sadd.s32 $0x1B0, s21  }
0x21f: {  	s1 =	ssub.s32 $0x4000, s21;
	p2 =	slt.s32 s7, s0  }
0x220: {  	s0 =	smov.u32 @p2 s7;
	p2 =	sgt.s32 s1, $0x0  }
0x221: {  	s26 =	ssub.s32 s0, s21;
	s1 =	simm.s32 @!p2 $0x0  }
0x222: {  	p2 =	slt.s32 s1, s26  }
0x223: {  	s26 =	smov.u32 @p2 s1  }
0x224: {  	s24 =	simm.s32 $0x1;
	p2 =	slt.s32 s26, $0x1  }
.Ltmp9:
0x225: {  	s24 =	simm.s32 @!p4 $0x0;
	(pc) =	sbr.rel @p2 .LBB2_12-.Ltmp9, $4  }
0x226: {  	s31 =	smul.u32 $0x6C0, s24  }
0x227: {  	s25 =	spop (v2sf)  }
0x228: {  	s0 =	sshrl.u32 s31, $0x2;
	s28 =	spop (v2sf)  }
0x229: {  	s22 =	sadd.s32 $0x3D98, s0;
	s21 =	spop (v2sf)  }
0x22a: {  	s0 =	smin.u32 s26, $0x10  }
0x22b: {  	v1 =	vmov s0  }
0x22c: {  	p3 =	sgt.s32 s26, $0x10;
	vm1 =	vgt.u32 v1, v0  }
.Ltmp10:
0x22d: {  	_ = 	snop;
	(pc) =	sbr.rel @!p3 .LBB2_11-.Ltmp10, $2  }
0x22e: {  	_ =	sdelay $0x2  }
0x22f: {  	s23 =	simm.s32 $0x10;
	s29 =	sadd.s32 $0xFFFFFFF0, s26;
	s0 =	smov.u32 s22;
	vm0 =	vmmov vm1  }
.LBB2_10:
0x230: {  	s1 =	smin.u32 s29, $0x10;
	s23 =	sadd.s32 $0x10, s23;
	v1 =	vld.msk [tilespmem:s0+$0x0 ss:$0x1], vm1  }
0x231: {  	v2 =	vmov s1;
	p3 =	slt.s32 s23, s26  }
0x232: {  	vm1 =	vgt.u32 v2, v0  }
.Ltmp11:
0x233: {  	(pc) =	sbr.rel @p3 .LBB2_10-.Ltmp11, $3  }
0x234: {  	_ =	sdelay $0x1  }
0x235: {  	v1 =	vshll.u32 v1, $0x4  }
0x236: {  	s29 =	sadd.s32 $0xFFFFFFF0, s29;
	[tilespmem:s0+$0x0] =	vst.msk vm0, v1;
	s0 =	sadd.s32 $0x10, s0;
	vm0 =	vmmov vm1  }
.LBB2_11:
0x237: {  	_ =	sdelay $0x4  }
0x238: {  	v1 =	vld.msk [tilespmem:s0+$0x0 ss:$0x1], vm1;
	_ =	sdelay $0x4  }
0x239: {  	v1 =	vshll.u32 v1, $0x4  }
0x23a: {  	[tilespmem:s0+$0x0] =	vst.msk vm0, v1  }
.LBB2_12:
0x23b: {  	s0 =	sand.u32 $0x1, s20  }
0x23c: {  	s1 =	smul.u32 $0x1B0, s0  }
0x23d: {  	p3 =	sne.s32 s28, $0xFFFFFFFF  }
0x23e: {  	v1 =	vld.msk @!p3 [tilespmem:s1+$0x3D98], $0x1;
	_ =	sdelay $0x4  }
0x23f: {  	(v2sf) =	vpush @!p3 v1, $0x0;
	_ =	sdelay $0x9  }
0x240: {  	s0 =	smul.u32 $0xD800, s0;
	_ =	sdelay $0x1  }
0x241: {  	v1 =	vld.msk @!p3 [tilespmem:s0+$0x40F8], $0xf  }
.Ltmp12:
0x242: {  	_ = 	snop;
	(pc) =	sbr.rel @p2 .LBB2_18-.Ltmp12, $4  }
0x243: {  	_ = 	snop  }
0x244: {  	s29 =	spop @!p3 (v2sf)  }
0x245: {  	s21 =	simm.s32 @!p3 $0x0;
	s0 =	simm.s32 @!p3 $0x28;
	s23 =	smov.u32 s29  }
0x246: {  	[tilespmem:s0+$0x0] =	vst.msk @!p3 $0xf, v1;
	[sflag:s17] =	ssyncpa.u1 $0x0;
	s29 =	smov.u32 @p3 s25;
	s23 =	smov.u32 @p3 s28  }
0x247: {  	v1 =	vld.msk [tilespmem:s22+$0x0], $0x1;
	_ =	sdelay $0x4  }
0x248: {  	(v2sf) =	vpush v1, $0x0;
	_ =	sdelay $0xe  }
0x249: {  	s31 =	spop (v2sf)  }
0x24a: {  	p2 =	seq.s32 s29, s31  }
0x24b: {  	s0 =	simm.s32 @!p4 $0x0;
	p3 =	sgt.s32 @!p2 s29, $0x0  }
0x24c: {  	s1 =	smov.u32 s29;
	s28 =	sadd.s32 $0xFFFFFFFF, s26;
	p3 =	por !p3, p2  }
0x24d: {  	s25 =	smul.u32 $0x36000, s24;
	s1 =	simm.s32 @p3 $0x0;
	p3 =	sne.s32 s28, $0x0  }
.Ltmp13:
0x24e: {  	s0 =	simm.s32 @p4 $0x1;
	(pc) =	sbr.rel @!p3 .LBB2_15-.Ltmp13, $4  }
0x24f: {  	s24 =	simm.s32 $0x0;
	[smem:$0x7FD] =	sst s0;
	s0 =	sshrl.u32 s25, $0x2  }
0x250: {  	s25 =	sadd.s32 $0x40F8, s0;
	s0 =	simm.s32 @!p2 $0x1;
	s2 =	smin.u32 @!p2 s1, $0x1FFF  }
0x251: {  	s30 =	sadd.s32 $0x1, s22;
	s0 =	smov.u32 @p2 s24;
	s5 =	sand.u32 @!p2 $0x1FF8, s2  }
0x252: {  	s1 =	simm.s32 @!p2 $0x1B38;
	s2 =	sand.u32 @!p2 $0x7, s2;
	s5 =	sadd.s32 @!p2 s3, s5  }
.LBB2_14:
0x253: {  	s4 =	smov.u32 s0  }
0x254: {  	[tilespmem:s1], [sflag:$0x2] =	stream.linear.gather @!p2 [hbm4b:s5+s2], $0x4, $0x38;
	[tilespmem:$0x1F0F8] =	vst v63  }
0x255: {  	s28 =	sadd.s32 $0xFFFFFFFF, s28;
	s2 =	smov.u32 s31;
	v1 =	vld.msk [tilespmem:s30+$0x0], $0x1  }
0x256: {  	p3 =	sne.s32 s28, $0x0;
	_ =	sdelay $0x3  }
0x257: {  	(v2sf) =	vpush v1, $0x0;
	_ =	sdelay $0xe  }
0x258: {  	s31 =	spop (v2sf)  }
0x259: {  	p2 =	seq.s32 s2, s31  }
0x25a: {  	p4 =	sgt.s32 @!p2 s2, $0x0;
	s1 =	sshll.u32 @!p2 s0, $0x6;
	s0 =	sadd.s32 @!p2 $0x1, s0  }
.Ltmp14:
0x25b: {  	p4 =	por !p4, p2;
	s1 =	sshra.s32 @!p2 s1, $0x2;
	(pc) =	sbr.rel @p3 .LBB2_14-.Ltmp14, $4  }
0x25c: {  	s0 =	smov.u32 @p2 s4;
	s2 =	simm.s32 @p4 $0x0;
	s1 =	sadd.s32 @!p2 $0x1B38, s1  }
0x25d: {  	s2 =	smin.u32 @!p2 s2, $0x1FFF  }
0x25e: {  	s4 =	sand.u32 @!p2 $0x1FF8, s2;
	s2 =	sand.u32 @!p2 $0x7, s2  }
0x25f: {  	s30 =	sadd.s32 $0x1, s30;
	s5 =	sadd.s32 @!p2 s3, s4  }
.LBB2_15:
0x260: {  	[tilespmem:s1], [sflag:$0x2] =	stream.linear.gather @!p2 [hbm4b:s5+s2], $0x4, $0x38;
	[tilespmem:$0x1F0F8] =	vst v63  }
0x261: {  	s0 =	sshll.u32 s0, $0x2  }
0x262: {  	s31 =	simm.s32 $0x2;
	s0 =	sand.u32 $0x3FFFFFFC, s0  }
0x263: {  	_ =	swait.ge [sflag:s31], s0  }
0x264: {  	s0 =	ssub.s32 $0x0, s0;
	[sflag:s31] =	ssyncset.done $0x0  }
0x265: {  	[sflag:s31] =	ssyncadd.s32 s0  }
0x266: {  	v1 =	vld.msk [tilespmem:s22+$0x0], $0x1;
	_ =	sdelay $0x4  }
0x267: {  	(v2sf) =	vpush v1, $0x0;
	_ =	sdelay $0xe  }
0x268: {  	s28 =	spop (v2sf)  }
0x269: {  	p2 =	sne.s32 s29, s28  }
0x26a: {  	p4 =	sne.s32 @p2 s29, s23  }
0x26b: {  	p3 =	por !p4, !p2  }
0x26c: {  	s0 =	sshll.u32 @!p3 s21, $0x6;
	s1 =	simm.s32 @!p3 $0x0  }
0x26d: {  	s0 =	sshra.s32 @!p3 s0, $0x2;
	v1 =	vld.msk @!p3 [tilespmem:s1+$0x1B38], $0xf  }
0x26e: {  	v2 =	vld.msk @!p3 [tilespmem:s0+$0x28], $0xf;
	_ =	sdelay $0x1  }
0x26f: {  	p5 =	sgt.u32 @!p3 s29, $0x1FFF  }
0x270: {  	p6 =	por @p2 p5, !p4  }
0x271: {  	p1 =	por p6, !p2;
	p6 =	por p4, !p2  }
0x272: {  	s2 =	sadd.s32 @!p3 $0x28, s0;
	s1 =	sand.u32 @!p1 $0x1FF8, s29;
	s4 =	sshll.u32 @!p6 s21, $0x6;
	v1 =	vmax.f32 @!p3 v1, v2  }
0x273: {  	s29 =	sand.u32 @!p1 $0x7, s29;
	s1 =	sadd.s32 @!p1 s3, s1;
	[tilespmem:s0+$0x28] =	vst.msk @!p3 $0xf, v1;
	s0 =	sshra.s32 @!p6 s4, $0x2  }
0x274: {  	[hbm4b:s1+s29] =	stream.linear.scatter @!p1 [tilespmem:s2], [sflag:$0xC], $0x4, $0x38;
	[tilespmem:$0x1F0F8] =	vst v63  }
0x275: {  	s5 =	rddreg [dreg:$0x4];
	s0 =	sadd.s32 @!p6 $0x28, s0;
	s1 =	simm.s32 @!p6 $0x1  }
0x276: {  	[spmem:s5] =	stream.linear.scatter @!p6 [tilespmem:s0], [sflag:$0x1], $0x4, $0x38;
	[tilespmem:$0x1F0F8] =	vst v63  }
0x277: {  	s0 =	sadd.s32 @p2 $0x1, s21;
	_ =	swait.ge @!p6 [sflag:s1], $0x4  }
0x278: {  	s2 =	sshrl.u32 @p2 s0, $0x4;
	[sflag:s1] =	ssyncset.done @!p6 $0x0  }
0x279: {  	s2 =	smulhi.u32 @p2 $0x97B425F, s2;
	[sflag:s1] =	ssyncadd.s32 @!p6 $0xFFFFFFFC  }
0x27a: {  	v1 =	vld.msk @p2 [tilespmem:s25+$0x0], $0xf  }
0x27b: {  	s26 =	sadd.s32 $0xFFFFFFFF, s26;
	p1 =	por @p2 !p5, !p4;
	s1 =	smul.u32 @p2 $0x1B0, s2  }
0x27c: {  	p1 =	por !p1, !p2;
	p6 =	sne.s32 s26, $0x0  }
.Ltmp15:
0x27d: {  	s2 =	simm.s32 @!p3 $0x0;
	s1 =	ssub.s32 @p2 s0, s1;
	(pc) =	sbr.rel @!p6 .LBB2_17-.Ltmp15, $4  }
0x27e: {  	s2 =	simm.s32 @!p1 $0x10;
	s4 =	sshll.u32 @p2 s1, $0x4  }
0x27f: {  	s29 =	simm.s32 $0x0;
	s0 =	sshll.u32 @!p2 s21, $0x6;
	s2 =	sadd.s32 @!p3 $0x0, s2;
	[tilespmem:s4+$0x28] =	vst.msk @p2 $0xf, v1  }
0x280: {  	s5 =	simm.s32 @p2 $0x1;
	s2 =	smov.u32 @p3 s24;
	s0 =	sshra.s32 @!p2 s0, $0x2;
	v1 =	vld.msk @!p2 [tilespmem:s25+$0x0], $0xf  }
0x281: {  	s29 =	smov.u32 @p2 s5;
	s21 =	smov.u32 @p2 s1;
	s24 =	smov.u32 @p2 s2;
	v2 =	vld.msk @!p2 [tilespmem:s0+$0x28], $0xf  }
.LBB2_16:
0x282: {  	_ =	sdelay $0x3  }
0x283: {  	v1 =	vmax.f32 @!p2 v1, v2  }
0x284: {  	s22 =	sadd.s32 $0x1, s22;
	[tilespmem:s0+$0x28] =	vst.msk @!p2 $0xf, v1  }
0x285: {  	v1 =	vld.msk [tilespmem:s22+$0x0], $0x1;
	_ =	sdelay $0x4  }
0x286: {  	(v2sf) =	vpush v1, $0x0;
	_ =	sdelay $0xe  }
0x287: {  	s30 =	smov.u32 s28;
	s28 =	spop (v2sf)  }
0x288: {  	p2 =	sne.s32 s30, s28  }
0x289: {  	p5 =	sne.s32 @p2 s30, s23  }
0x28a: {  	s0 =	sadd.s32 @p2 $0x1, s21;
	p4 =	por !p5, !p2  }
0x28b: {  	s31 =	sshll.u32 @!p2 s21, $0x6;
	s2 =	sadd.s32 @p2 $0x1, s29;
	s4 =	sshll.u32 @!p4 s29, $0x6  }
0x28c: {  	s1 =	sshrl.u32 @p2 s0, $0x4;
	s5 =	sshll.u32 @!p4 s21, $0x6;
	s4 =	sshra.s32 @!p4 s4, $0x2  }
0x28d: {  	p1 =	sgt.u32 @!p4 s30, $0x1FFF;
	s1 =	smulhi.u32 @p2 $0x97B425F, s1;
	s5 =	sshra.s32 @!p4 s5, $0x2;
	v1 =	vld.msk @!p4 [tilespmem:s4+$0x1B38], $0xf  }
0x28e: {  	s8 =	simm.s32 @!p4 $0x0;
	s29 =	smov.u32 @p2 s2;
	p6 =	por @p2 p1, !p5;
	v2 =	vld.msk @!p4 [tilespmem:s5+$0x28], $0xf  }
0x28f: {  	p1 =	por @p2 !p1, !p5;
	p5 =	por p5, !p2;
	s4 =	sadd.s32 @!p4 $0x28, s5  }
0x290: {  	p6 =	por p6, !p2;
	p1 =	por !p1, !p2;
	s1 =	smul.u32 @p2 $0x1B0, s1  }
0x291: {  	s10 =	sshll.u32 @!p5 s21, $0x6;
	s9 =	sand.u32 @!p6 $0x1FF8, s30;
	s8 =	simm.s32 @!p1 $0x10  }
0x292: {  	s30 =	sand.u32 @!p6 $0x7, s30;
	s9 =	sadd.s32 @!p6 s3, s9;
	s2 =	sadd.s32 @!p4 s8, s24  }
0x293: {  	s8 =	rddreg [dreg:$0x4];
	s0 =	ssub.s32 @p2 s0, s1;
	s2 =	smov.u32 @p4 s24;
	v1 =	vmax.f32 @!p4 v1, v2  }
0x294: {  	s1 =	sshll.u32 @p2 s0, $0x4;
	s24 =	smov.u32 @p2 s2;
	s2 =	sshra.s32 @!p5 s10, $0x2;
	[tilespmem:s5+$0x28] =	vst.msk @!p4 $0xf, v1  }
0x295: {  	[hbm4b:s9+s30] =	stream.linear.scatter @!p6 [tilespmem:s4], [sflag:$0xC], $0x4, $0x38;
	[tilespmem:$0x1F0F8] =	vst v63  }
0x296: {  	s21 =	smov.u32 @p2 s0;
	s0 =	sadd.s32 @!p5 $0x28, s2;
	s2 =	simm.s32 @!p5 $0x1  }
0x297: {  	[spmem:s8] =	stream.linear.scatter @!p5 [tilespmem:s0], [sflag:$0x1], $0x4, $0x38;
	[tilespmem:$0x1F0F8] =	vst v63  }
0x298: {  	_ =	swait.ge @!p5 [sflag:s2], $0x4  }
0x299: {  	[sflag:s2] =	ssyncset.done @!p5 $0x0  }
0x29a: {  	s25 =	sadd.s32 $0x80, s25;
	[sflag:s2] =	ssyncadd.s32 @!p5 $0xFFFFFFFC  }
0x29b: {  	v1 =	vld.msk @p2 [tilespmem:s25+$0x0], $0xf  }
0x29c: {  	s26 =	sadd.s32 $0xFFFFFFFF, s26  }
0x29d: {  	p3 =	sne.s32 s26, $0x0  }
.Ltmp16:
0x29e: {  	_ = 	snop;
	(pc) =	sbr.rel @p3 .LBB2_16-.Ltmp16, $4  }
0x29f: {  	_ = 	snop  }
0x2a0: {  	[tilespmem:s1+$0x28] =	vst.msk @p2 $0xf, v1  }
0x2a1: {  	s0 =	sshra.s32 @!p2 s31, $0x2;
	v1 =	vld.msk @!p2 [tilespmem:s25+$0x0], $0xf  }
0x2a2: {  	v2 =	vld.msk @!p2 [tilespmem:s0+$0x28], $0xf  }
.LBB2_17:
0x2a3: {  	_ = 	snop  }
.Ltmp17:
0x2a4: {  	_ = 	snop;
	(pc) =	sbr.rel .LBB2_19-.Ltmp17, $3  }
0x2a5: {  	s1 =	sld [smem:$0x7FD];
	_ =	sdelay $0x1  }
0x2a6: {  	v1 =	vmax.f32 @!p2 v1, v2  }
0x2a7: {  	s29 =	smov.u32 s28;
	p4 =	seq.s32 s1, $0x1;
	[tilespmem:s0+$0x28] =	vst.msk @!p2 $0xf, v1;
	s0 =	sshrl.u32 s24, $0x2  }
.LBB2_21:
0x2a8: {  	_ =	sfence.sel $0x180000  }
0x2a9: {  	s0 =	simm.s32 $0x9;
	[bflag:$0x0] =	sbarrier.arrive $0xFFFF  }
0x2aa: {  	s24 =	simm.s32 $0xA;
	[sflag:s0] =	ssyncpa.u1 $0x1  }
0x2ab: {  	s25 =	simm.s32 $0xB;
	[sflag:s24] =	ssyncpa.u1 $0x1  }
0x2ac: {  	s26 =	simm.s32 $0x2;
	[sflag:s25] =	ssyncpa.u1 $0x1  }
0x2ad: {  	[sflag:s26] =	ssyncpa.u1 $0x1  }
0x2ae: {  	v0 =	vld [tilespmem:$0x3648];
	_ =	sdelay $0x4  }
0x2af: {  	(v2sf) =	vpush v0, $0x0  }
0x2b0: {  	(v2sf) =	vpush v0, $0x1;
	_ =	sdelay $0x1  }
0x2b1: {  	(v2sf) =	vpush v0, $0x2;
	_ =	sdelay $0xb  }
0x2b2: {  	s0 =	spop (v2sf)  }
0x2b3: {  	s1 =	spop (v2sf)  }
0x2b4: {  	s2 =	smov.u32 s0;
	p0 =	sne.s32 s0, s1  }
0x2b5: {  	s4 =	spop (v2sf);
	s2 =	simm.s32 @!p0 $0xFFFFFFFF  }
0x2b6: {  	v2 =	vimm.s32 $0x1;
	v3 =	vlaneseq.u32;
	p0 =	seq.s32 s4, $0xFFFFFFFF;
	v1 =	vmov s2  }
0x2b7: {  	s16 =	stileid.u32;
	v0 =	vperm.xlane v0, v2;
	p1 =	sne.s32 @!p0 s0, s1;
	v1 =	vperm.xlane v1, v3  }
0x2b8: {  	vm0 =	vcmask $0x3F04;
	s6 =	simm.s32 $0x3648;
	s0 =	simm.s32 @!p0 $0x1;
	p1 =	por !p1, p0  }
0x2b9: {  	s2 =	sshll.u32 s16, $0x1;
	s1 =	sshll.u32 @!p0 s4, $0x6;
	s0 =	simm.s32 @p1 $0x0;
	v0 =	vsel vm0, v1, v0  }
0x2ba: {  	s5 =	sor.u32 $0x200, s2;
	s1 =	sshra.s32 @!p0 s1, $0x2;
	s0 =	sor.u32 @!p0 s0, s2;
	[tilespmem:$0x3648] =	vst v0  }
0x2bb: {  	[spmem:s5] =	stream.linear.scatter [tilespmem:s6], [sflag:$0x1], $0x2, $0x38;
	[tilespmem:$0x1F0F8] =	vst v63  }
0x2bc: {  	s1 =	sadd.s32 @!p0 $0x28, s1;
	s0 =	sshll.u32 @!p0 s0, $0x4  }
0x2bd: {  	[spmem:s0] =	stream.linear.scatter @!p0 [tilespmem:s1], [sflag:$0x1], $0x10, $0x38;
	[tilespmem:$0x1F0F8] =	vst v63  }
0x2be: {  	s0 =	simm.s32 @!p0 $0x12  }
0x2bf: {  	s28 =	simm.s32 $0x1;
	s0 =	simm.s32 @p0 $0x2  }
0x2c0: {  	_ =	swait.ge [sflag:s28], s0  }
0x2c1: {  	s0 =	ssub.s32 $0x0, s0;
	[sflag:s28] =	ssyncset.done $0x0  }
0x2c2: {  	p0 =	sne.s32 s16, $0x0;
	[sflag:s28] =	ssyncadd.s32 s0  }
.Ltmp18:
0x2c3: {  	_ =	sfence.stream.spmem;
	(pc) =	sbr.rel @p0 .LBB2_38-.Ltmp18, $4  }
0x2c4: {  	s29 =	simm.s32 $0x3;
	[bflag:$0x0] =	sbarrier.arrive $0xFFFF  }
0x2c5: {  	s30 =	simm.s32 $0x4;
	[sflag:s29] =	ssyncpa.u1 $0x1  }
0x2c6: {  	s31 =	simm.s32 $0x3C;
	[sflag:s30] =	ssyncpa.u1 $0x1  }
0x2c7: {  	s17 =	rddreg [dreg:$0x5];
	[sflag:s31] =	ssyncpa.u1 $0x1  }
0x2c8: {  	_ =	sfence.stream.spmem;
	s0 =	simm.s32 $0x5  }
0x2c9: {  	s1 =	simm.s32 $0x200;
	s2 =	simm.s32 $0x3658;
	[sflag:s0] =	ssyncpa.u1 $0x0  }
0x2ca: {  	[tilespmem:s2], [sflag:$0x5] =	stream.linear.gather [spmem:s1], $0x20, $0x38;
	[tilespmem:$0x1F0F8] =	vst v63  }
0x2cb: {  	s26 =	simm.s32 $0x0;
	s28 =	simm.s32 $0x3678  }
0x2cc: {  	[tilespmem:s28], [sflag:$0x5] =	stream.linear.gather [spmem:s26], $0x200, $0x38;
	[tilespmem:$0x1F0F8] =	vst v63  }
0x2cd: {  	_ =	swait.ge [sflag:s0], $0x220  }
0x2ce: {  	[sflag:s0] =	ssyncset.done $0x0  }
0x2cf: {  	s29 =	simm.s32 $0x0;
	[sflag:s0] =	ssyncadd.s32 $0xFFFFFDE0  }
0x2d0: {  	v0 =	vld.msk [tilespmem:s29+$0x3658], $0x1;
	_ =	sdelay $0x1  }
0x2d1: {  	s30 =	simm.s32 $0x1  }
0x2d2: {  	v1 =	vld.msk [tilespmem:s30+$0x3658], $0x1;
	_ =	sdelay $0x1  }
0x2d3: {  	(v2sf) =	vpush v0, $0x0;
	_ =	sdelay $0x2  }
0x2d4: {  	(v2sf) =	vpush v1, $0x0;
	_ =	sdelay $0x2  }
0x2d5: {  	s31 =	simm.s32 $0x2  }
0x2d6: {  	v0 =	vld.msk [tilespmem:s31+$0x3658], $0x1;
	_ =	sdelay $0x2  }
0x2d7: {  	s6 =	simm.s32 $0xFFFFFFFF;
	s1 =	simm.s32 $0xFFFFFFFF;
	s0 =	simm.s32 $0xC  }
.LBB2_23:
0x2d8: {  	s2 =	smov.u32 s6;
	s4 =	smov.u32 s1  }
0x2d9: {  	s1 =	sshra.s32 s0, $0x2;
	p1 =	sne.s32 s0, $0x7C;
	s0 =	sadd.s32 $0x4, s0;
	(v2sf) =	vpush v0, $0x0  }
0x2da: {  	v0 =	vld.msk [tilespmem:s1+$0x3658], $0x1  }
.Ltmp19:
0x2db: {  	(pc) =	sbr.rel @p1 .LBB2_23-.Ltmp19, $4  }
0x2dc: {  	s6 =	spop (v2sf)  }
0x2dd: {  	p2 =	sne.s32 s4, $0xFFFFFFFF;
	s1 =	smov.u32 s6  }
0x2de: {  	p3 =	seq.s32 s6, $0xFFFFFFFF;
	s1 =	smov.u32 @p2 s4  }
0x2df: {  	s6 =	smov.u32 @p3 s2;
	s1 =	smov.u32 @p3 s4  }
0x2e0: {  	(v2sf) =	vpush v0, $0x0;
	_ =	sdelay $0x8  }
0x2e1: {  	s0 =	spop (v2sf)  }
0x2e2: {  	p1 =	sne.s32 s1, $0xFFFFFFFF;
	s2 =	smov.u32 s0  }
0x2e3: {  	s9 =	simm.s32 $0x6;
	p2 =	seq.s32 s0, $0xFFFFFFFF;
	s2 =	smov.u32 @p1 s1  }
0x2e4: {  	s10 =	simm.s32 $0x3638;
	s2 =	smov.u32 @p2 s1;
	s1 =	spop (v2sf)  }
0x2e5: {  	s0 =	smov.u32 @p2 s6;
	p1 =	sne.s32 s2, $0xFFFFFFFF;
	s4 =	smov.u32 s1  }
.Ltmp20:
0x2e6: {  	p2 =	seq.s32 s1, $0xFFFFFFFF;
	s4 =	smov.u32 @p1 s2;
	(pc) =	sbr.rel .LBB2_25-.Ltmp20, $4  }
0x2e7: {  	s11 =	simm.s32 $0x0;
	s4 =	smov.u32 @p2 s2;
	s7 =	spop (v2sf)  }
0x2e8: {  	[sflag:s9] =	ssyncpa.u1 $0x0;
	p1 =	sne.s32 s4, $0xFFFFFFFF;
	s8 =	smov.u32 s7  }
0x2e9: {  	s1 =	smov.u32 @p2 s0;
	p2 =	seq.s32 s7, $0xFFFFFFFF;
	s8 =	smov.u32 @p1 s4  }
0x2ea: {  	s6 =	simm.s32 $0x0;
	s7 =	smov.u32 @p2 s1;
	s8 =	smov.u32 @p2 s4  }
.LBB2_30:
0x2eb: {  	p1 =	sgt.u32 s12, $0x1FFF  }
0x2ec: {  	p2 =	seq.s32 @!p1 s12, s8  }
0x2ed: {  	p1 =	por p1, p2  }
0x2ee: {  	p2 =	sne.s32 @!p1 s12, s7  }
0x2ef: {  	p1 =	por p1, !p2  }
0x2f0: {  	s0 =	sshll.u32 @p1 s11, $0x6  }
0x2f1: {  	s0 =	sand.u32 @!p1 $0x1FF8, s12  }
0x2f2: {  	s1 =	sand.u32 @!p1 $0x7, s12;
	s0 =	sadd.s32 @!p1 s3, s0  }
0x2f3: {  	[tilespmem:s10], [sflag:$0x6] =	stream.linear.gather @!p1 [hbm4b:s0+s1], $0x4, $0x38;
	[tilespmem:$0x1F0F8] =	vst v63  }
0x2f4: {  	_ =	swait.ge @!p1 [sflag:s9], $0x4  }
0x2f5: {  	[sflag:s9] =	ssyncset.done @!p1 $0x0  }
0x2f6: {  	s0 =	sshll.u32 @!p1 s11, $0x6;
	[sflag:s9] =	ssyncadd.s32 @!p1 $0xFFFFFFFC  }
0x2f7: {  	s1 =	sshrl.u32 @!p1 s0, $0x2;
	v1 =	vld @!p1 [tilespmem:$0x3638]  }
0x2f8: {  	v2 =	vld @!p1 [tilespmem:s1+$0x3678];
	_ =	sdelay $0x4  }
0x2f9: {  	v1 =	vmax.f32 @!p1 v1, v2  }
0x2fa: {  	[tilespmem:s1+$0x3678] =	vst @!p1 v1  }
0x2fb: {  	s0 =	sshrl.u32 s0, $0x2;
	[tilespmem:s6+$0x3658] =	vst.msk $0x1, v0  }
0x2fc: {  	v0 =	vld [tilespmem:s0+$0x3678];
	_ =	sdelay $0x2  }
0x2fd: {  	s31 =	sshll.u32 s6, $0x6  }
0x2fe: {  	s0 =	sshra.s32 s31, $0x2  }
0x2ff: {  	s6 =	sadd.s32 $0x1, s6;
	[tilespmem:s0+$0x3678] =	vst v0  }
.LBB2_32:
0x300: {  	s11 =	sadd.s32 $0x1, s11  }
0x301: {  	p1 =	sne.s32 s11, $0x20  }
.Ltmp21:
0x302: {  	_ = 	snop;
	(pc) =	sbr.rel @!p1 .LBB2_33-.Ltmp21, $1  }
0x303: {  	_ =	sdelay $0x3  }
.LBB2_25:
0x304: {  	v0 =	vld.msk [tilespmem:s11+$0x3658], $0x1;
	_ =	sdelay $0x4  }
0x305: {  	(v2sf) =	vpush v0, $0x0;
	_ =	sdelay $0xe  }
0x306: {  	s12 =	spop (v2sf)  }
0x307: {  	p1 =	seq.s32 s12, $0xFFFFFFFF  }
.Ltmp22:
0x308: {  	_ = 	snop;
	(pc) =	sbr.rel @p1 .LBB2_32-.Ltmp22, $1  }
0x309: {  	_ =	sdelay $0x3  }
0x30a: {  	p1 =	slt.s32 s6, $0x1  }
.Ltmp23:
0x30b: {  	_ = 	snop;
	(pc) =	sbr.rel @p1 .LBB2_30-.Ltmp23, $1  }
0x30c: {  	_ =	sdelay $0x3  }
0x30d: {  	s13 =	simm.s32 $0x3658;
	p1 =	por $0x0, $0x0  }
0x30e: {  	v1 =	vld.msk @!p1 [tilespmem:s13+$0x0], $0x1;
	_ =	sdelay $0x4  }
0x30f: {  	(v2sf) =	vpush @!p1 v1, $0x0;
	_ =	sdelay $0xd  }
0x310: {  	p3 =	sne.s32 s6, $0x1  }
.Ltmp24:
0x311: {  	s0 =	spop @!p1 (v2sf);
	(pc) =	sbr.rel @!p3 .LBB2_29-.Ltmp24, $4  }
0x312: {  	p2 =	seq.s32 @!p1 s12, s0  }
0x313: {  	s14 =	simm.s32 $0x0;
	p2 =	por !p2, p1  }
0x314: {  	s0 =	simm.s32 $0xFFFFFFFF;
	s14 =	simm.s32 @p2 $0xFFFFFFFF  }
0x315: {  	s15 =	simm.s32 $0x1;
	s14 =	smov.u32 @p1 s0  }
.LBB2_28:
0x316: {  	s0 =	smov.u32 s14;
	p1 =	sne.s32 s14, $0xFFFFFFFF  }
0x317: {  	s13 =	sadd.s32 $0x1, s13;
	s14 =	smov.u32 s15;
	s15 =	sadd.s32 $0x1, s15  }
0x318: {  	p2 =	sne.s32 s6, s15;
	v1 =	vld.msk @!p1 [tilespmem:s13+$0x0], $0x1;
	_ =	sdelay $0x4  }
0x319: {  	(v2sf) =	vpush @!p1 v1, $0x0;
	_ =	sdelay $0xe  }
.Ltmp25:
0x31a: {  	s1 =	spop @!p1 (v2sf);
	(pc) =	sbr.rel @p2 .LBB2_28-.Ltmp25, $4  }
0x31b: {  	p3 =	seq.s32 @!p1 s12, s1  }
0x31c: {  	p3 =	por !p3, p1  }
0x31d: {  	s14 =	simm.s32 @p3 $0xFFFFFFFF  }
0x31e: {  	s14 =	smov.u32 @p1 s0  }
.LBB2_29:
0x31f: {  	p1 =	sne.s32 s14, $0xFFFFFFFF  }
.Ltmp26:
0x320: {  	_ = 	snop;
	(pc) =	sbr.rel @!p1 .LBB2_30-.Ltmp26, $1  }
0x321: {  	_ =	sdelay $0x3  }
0x322: {  	s0 =	sshll.u32 s11, $0x4  }
0x323: {  	s1 =	sshll.u32 s14, $0x6;
	s0 =	sand.u32 $0x3FFFFFF0, s0  }
0x324: {  	s31 =	sshra.s32 s1, $0x2;
	v0 =	vld [tilespmem:s0+$0x3678]  }
0x325: {  	v1 =	vld [tilespmem:s31+$0x3678];
	_ =	sdelay $0x1  }
.Ltmp27:
0x326: {  	_ = 	snop;
	(pc) =	sbr.rel .LBB2_32-.Ltmp27, $3  }
0x327: {  	_ =	sdelay $0x1  }
0x328: {  	v0 =	vmax.f32 v0, v1  }
0x329: {  	[tilespmem:s31+$0x3678] =	vst v0  }
.LBB2_33:
0x32a: {  	s0 =	simm.s32 $0x6;
	p1 =	seq.s32 s6, $0x0  }
0x32b: {  	[sflag:s0] =	ssyncpa.u1 $0x1;
	v0 =	vimm.s32 @p1 $0xFFFFFFFF  }
0x32c: {  	s9 =	sadd.s32 $0xFFFFFFFF, s6;
	[tilespmem:$0x3878] =	vst @p1 v0  }
0x32d: {  	v0 =	vld.msk @!p1 [tilespmem:s9+$0x3658], $0x1;
	_ =	sdelay $0x1  }
0x32e: {  	v1 =	vld.msk @!p1 [tilespmem:$0x3658], $0x1;
	_ =	sdelay $0x2  }
0x32f: {  	p2 =	seq.s32 @!p1 s9, $0x0;
	v0 =	vbroadcast @!p1 v0, $0x0  }
0x330: {  	vm0 =	vmmov @!p1 $0x1;
	p2 =	por !p2, p1  }
0x331: {  	v1 =	vnsel @!p1 vm0, $0xFFFFFFFF, v1;
	vm0 =	vcmask @!p1 $0x308;
	v0 =	vpsel !p2, $0xFFFFFFFF, v0  }
0x332: {  	p2 =	sne.s32 @!p1 s8, s7;
	v0 =	vsel @!p1 vm0, v1, v0  }
0x333: {  	s0 =	simm.s32 @!p1 $0x3678;
	s1 =	simm.s32 @!p1 $0x0;
	p3 =	por !p2, p1;
	[tilespmem:$0x3878] =	vst @!p1 v0  }
0x334: {  	[spmem:s1] =	stream.linear.scatter @!p1 [tilespmem:s0], [sflag:$0x1], $0x10, $0x38;
	[tilespmem:$0x1F0F8] =	vst v63  }
0x335: {  	s0 =	sshll.u32 @!p3 s9, $0x6  }
0x336: {  	s0 =	sshra.s32 @!p3 s0, $0x2  }
0x337: {  	s1 =	simm.s32 @!p3 $0x10;
	s0 =	sadd.s32 @!p3 $0x3678, s0  }
0x338: {  	[spmem:s1] =	stream.linear.scatter @!p3 [tilespmem:s0], [sflag:$0x1], $0x10, $0x38;
	[tilespmem:$0x1F0F8] =	vst v63  }
0x339: {  	s0 =	simm.s32 @!p3 $0x1  }
0x33a: {  	_ =	swait.ge @!p3 [sflag:s0], $0x20  }
0x33b: {  	p1 =	por p2, p1;
	[sflag:s0] =	ssyncset.done @!p3 $0x0  }
0x33c: {  	[sflag:s0] =	ssyncadd.s32 @!p3 $0xFFFFFFE0;
	s0 =	simm.s32 @!p1 $0x1  }
0x33d: {  	_ =	swait.ge @!p1 [sflag:s0], $0x10  }
0x33e: {  	s29 =	simm.s32 $0x3878;
	[sflag:s0] =	ssyncset.done @!p1 $0x0  }
0x33f: {  	s30 =	simm.s32 $0x200;
	s31 =	simm.s32 $0x1;
	[sflag:s0] =	ssyncadd.s32 @!p1 $0xFFFFFFF0  }
0x340: {  	[spmem:s30] =	stream.linear.scatter [tilespmem:s29], [sflag:$0x1], $0x10, $0x38;
	[tilespmem:$0x1F0F8] =	vst v63  }
0x341: {  	_ =	swait.ge [sflag:s31], $0x10  }
0x342: {  	[sflag:s31] =	ssyncset.done $0x0  }
0x343: {  	p1 =	seq.s32 s17, $0x0;
	s8 =	rddreg [dreg:$0x1];
	[sflag:s31] =	ssyncadd.s32 $0xFFFFFFF0  }
0x344: {  	s1 =	sshll.u32 @p1 s8, $0xE;
	s7 =	rddreg [dreg:$0x2]  }
0x345: {  	s0 =	sadd.s32 @p1 $0x15C3C, s1;
	s1 =	sshll.u32 @p1 s7, $0x11  }
0x346: {  	_ =	sfence.stream.spmem;
	s0 =	sor.u32 @p1 s1, s0  }
0x347: {  	[sflag:s0] =	ssyncadd.remote.s32 @p1 $0x1;
	s0 =	simm.s32 @p1 $0x4  }
0x348: {  	s2 =	simm.s32 @!p1 $0x3C;
	s1 =	sand.u32 $0xFFFFFFFE, s8;
	_ =	swait.ge @p1 [sflag:s0], $0x6  }
0x349: {  	s4 =	simm.s32 @!p1 $0x0;
	s1 =	sadd.s32 @!p1 $0x4, s1;
	[sflag:s0] =	ssyncset.done @p1 $0x0  }
0x34a: {  	s5 =	simm.s32 @!p1 $0x20;
	[sflag:s0] =	ssyncadd.s32 @p1 $0xFFFFFFFA;
	s0 =	sshll.u32 @!p1 s1, $0x1A  }
0x34b: {  	s1 =	sshll.u32 @!p1 s1, $0xD;
	s0 =	sor.u32 @!p1 s0, s7;
	_ =	swait.eq @!p1 [sflag:s2], $0x1  }
0x34c: {  	s1 =	sor.u32 @!p1 $0x1C04, s1;
	s2 =	simm.s32 @!p1 $0x1C03;
	s0 =	sor.u32 @!p1 $0x80004000, s0  }
0x34d: {  	[spmem:s5], [sflag:s1] =	dma.general @!p1 [spmem:s4], [sflag:s2], length:$0x4, [dreg:$0x0], stride_count:$0x0, ici_dest:s0, dma_misc:DstOpCode:WRITE  }
0x34e: {  	p2 =	slt.s32 s9, $0x2;
	s4 =	simm.s32 @!p1 $0x40;
	s5 =	simm.s32 @!p1 $0x42  }
0x34f: {  	[spmem:s5], [sflag:s1] =	dma.general @!p1 [spmem:s4], [sflag:s2], length:$0x2, [dreg:$0x0], stride_count:$0x0, ici_dest:s0, dma_misc:DstOpCode:WRITE  }
.Ltmp28:
0x350: {  	s0 =	simm.s32 @!p1 $0x3;
	(pc) =	sbr.rel @p2 .LBB2_37-.Ltmp28, $4  }
0x351: {  	s1 =	sshll.u32 @!p1 s8, $0xE;
	_ =	swait.ge @!p1 [sflag:s0], $0x6  }
0x352: {  	s2 =	sshll.u32 @!p1 s7, $0x11;
	s1 =	sadd.s32 @!p1 $0x11C3C, s1;
	[sflag:s0] =	ssyncset.done @!p1 $0x0  }
0x353: {  	[sflag:s0] =	ssyncadd.s32 @!p1 $0xFFFFFFFA;
	s0 =	sor.u32 @!p1 s2, s1  }
0x354: {  	[sflag:s0] =	ssyncadd.remote.s32 @!p1 $0xFFFFFFFF;
	s0 =	simm.s32 $0x0  }
0x355: {  	s0 =	simm.s32 $0x3659  }
0x356: {  	v0 =	vld.msk [tilespmem:s0+$0x0], $0x1;
	_ =	sdelay $0x4  }
0x357: {  	(v2sf) =	vpush v0, $0x0;
	_ =	sdelay $0xd  }
0x358: {  	s2 =	sadd.s32 $0xFFFFFFFE, s6  }
0x359: {  	s2 =	sadd.s32 $0xFFFFFFFF, s2;
	s0 =	spop (v2sf)  }
0x35a: {  	p2 =	sne.s32 s2, $0x0;
	p1 =	sgt.u32 s0, $0x1FFF  }
.Ltmp29:
0x35b: {  	s4 =	sand.u32 @!p1 $0x1FF8, s0;
	(pc) =	sbr.rel @!p2 .LBB2_36-.Ltmp29, $4  }
0x35c: {  	s1 =	simm.s32 $0x3688;
	s0 =	sand.u32 @!p1 $0x7, s0;
	s4 =	sadd.s32 @!p1 s3, s4  }
0x35d: {  	[hbm4b:s4+s0] =	stream.linear.scatter @!p1 [tilespmem:s1], [sflag:$0x5], $0x4, $0x38;
	[tilespmem:$0x1F0F8] =	vst v63  }
0x35e: {  	s0 =	simm.s32 $0x0  }
0x35f: {  	s6 =	simm.s32 $0x0;
	s7 =	simm.s32 $0x365A;
	s0 =	simm.s32 @!p1 $0x10  }
.LBB2_35:
0x360: {  	v0 =	vld.msk [tilespmem:s7+$0x0], $0x1;
	s2 =	sadd.s32 $0xFFFFFFFF, s2;
	s6 =	sadd.s32 s6, s0  }
0x361: {  	p1 =	sne.s32 s2, $0x0;
	_ =	sdelay $0x3  }
0x362: {  	(v2sf) =	vpush v0, $0x0;
	_ =	sdelay $0xe  }
.Ltmp30:
0x363: {  	s4 =	spop (v2sf);
	(pc) =	sbr.rel @p1 .LBB2_35-.Ltmp30, $4  }
0x364: {  	s0 =	simm.s32 $0x0;
	p2 =	sgt.u32 s4, $0x1FFF  }
0x365: {  	s1 =	sadd.s32 $0x10, s1;
	s0 =	simm.s32 @!p2 $0x10;
	s5 =	sand.u32 @!p2 $0x1FF8, s4  }
0x366: {  	s7 =	sadd.s32 $0x1, s7;
	s4 =	sand.u32 @!p2 $0x7, s4;
	s5 =	sadd.s32 @!p2 s3, s5  }
0x367: {  	[hbm4b:s5+s4] =	stream.linear.scatter @!p2 [tilespmem:s1], [sflag:$0x5], $0x4, $0x38;
	[tilespmem:$0x1F0F8] =	vst v63  }
.LBB2_36:
0x368: {  	s0 =	sadd.s32 s6, s0  }
0x369: {  	s0 =	sshrl.u32 s0, $0x2  }
.LBB2_37:
0x36a: {  	s1 =	simm.s32 $0x5  }
0x36b: {  	_ =	swait.ge [sflag:s1], s0  }
0x36c: {  	s31 =	ssub.s32 $0x0, s0;
	[sflag:s1] =	ssyncset.done $0x0  }
0x36d: {  	[sflag:s1] =	ssyncadd.s32 s31  }
0x36e: {  	[sflag:s1] =	ssyncpa.u1 $0x1  }
.LBB2_38:
0x36f: {  	s0 =	sor.u32 s17, s16  }
0x370: {  	p1 =	sne.s32 s0, $0x0  }
.Ltmp31:
0x371: {  	_ = 	snop;
	(pc) =	sbr.rel @p1 .LBB2_53-.Ltmp31, $3  }
0x372: {  	_ =	sdelay $0x1  }
0x373: {  	[bflag:$0x0] =	sbarrier.arrive $0xFFFF  }
0x374: {  	_ =	sfence  }
0x375: {  	s0 =	simm.s32 $0x7  }
0x376: {  	s1 =	simm.s32 $0x200;
	s2 =	simm.s32 $0x3658;
	[sflag:s0] =	ssyncpa.u1 $0x0  }
0x377: {  	[tilespmem:s2], [sflag:$0x7] =	stream.linear.gather [spmem:s1], $0x20, $0x38;
	[tilespmem:$0x1F0F8] =	vst v63  }
0x378: {  	s30 =	simm.s32 $0x3678;
	s1 =	simm.s32 $0x0  }
0x379: {  	[tilespmem:s30], [sflag:$0x7] =	stream.linear.gather [spmem:s1], $0x200, $0x38;
	[tilespmem:$0x1F0F8] =	vst v63  }
.Ltmp32:
0x37a: {  	_ = 	snop;
	(pc) =	sbr.rel .LBB2_40-.Ltmp32, $4  }
0x37b: {  	_ =	swait.ge [sflag:s0], $0x220  }
0x37c: {  	[sflag:s0] =	ssyncset.done $0x0  }
0x37d: {  	s31 =	simm.s32 $0x8;
	[sflag:s0] =	ssyncadd.s32 $0xFFFFFDE0  }
0x37e: {  	s2 =	simm.s32 $0x0;
	[sflag:s31] =	ssyncpa.u1 $0x0  }
.LBB2_45:
0x37f: {  	p1 =	slt.u32 s4, $0x2000  }
0x380: {  	s0 =	sand.u32 @p1 $0x1FF8, s4  }
0x381: {  	s4 =	sand.u32 @p1 $0x7, s4;
	s5 =	simm.s32 @p1 $0x3638;
	s0 =	sadd.s32 @p1 s3, s0  }
0x382: {  	[tilespmem:s5], [sflag:$0x8] =	stream.linear.gather @p1 [hbm4b:s0+s4], $0x4, $0x38;
	[tilespmem:$0x1F0F8] =	vst v63  }
0x383: {  	s0 =	simm.s32 @p1 $0x8  }
0x384: {  	_ =	swait.ge @p1 [sflag:s0], $0x4  }
0x385: {  	[sflag:s0] =	ssyncset.done @p1 $0x0  }
0x386: {  	[sflag:s0] =	ssyncadd.s32 @p1 $0xFFFFFFFC;
	s0 =	sshll.u32 @p1 s2, $0x6  }
0x387: {  	v1 =	vld @p1 [tilespmem:$0x3638];
	s4 =	sshrl.u32 @p1 s0, $0x2  }
0x388: {  	v2 =	vld @p1 [tilespmem:s4+$0x3678];
	_ =	sdelay $0x4  }
0x389: {  	s5 =	sshll.u32 @!p1 s2, $0x6;
	v1 =	vmax.f32 @p1 v1, v2  }
0x38a: {  	s5 =	smov.u32 @p1 s0;
	[tilespmem:s4+$0x3678] =	vst @p1 v1  }
0x38b: {  	s0 =	sshrl.u32 s5, $0x2;
	[tilespmem:s1+$0x3658] =	vst.msk $0x1, v0  }
0x38c: {  	v0 =	vld [tilespmem:s0+$0x3678];
	_ =	sdelay $0x2  }
0x38d: {  	s31 =	sshll.u32 s1, $0x6  }
0x38e: {  	s0 =	sshra.s32 s31, $0x2  }
0x38f: {  	s1 =	sadd.s32 $0x1, s1;
	[tilespmem:s0+$0x3678] =	vst v0  }
.LBB2_47:
0x390: {  	s2 =	sadd.s32 $0x1, s2  }
0x391: {  	p1 =	sne.s32 s2, $0x20  }
.Ltmp33:
0x392: {  	_ = 	snop;
	(pc) =	sbr.rel @!p1 .LBB2_48-.Ltmp33, $1  }
0x393: {  	_ =	sdelay $0x3  }
.LBB2_40:
0x394: {  	v0 =	vld.msk [tilespmem:s2+$0x3658], $0x1;
	_ =	sdelay $0x4  }
0x395: {  	(v2sf) =	vpush v0, $0x0;
	_ =	sdelay $0xe  }
0x396: {  	s4 =	spop (v2sf)  }
0x397: {  	p1 =	seq.s32 s4, $0xFFFFFFFF  }
.Ltmp34:
0x398: {  	_ = 	snop;
	(pc) =	sbr.rel @p1 .LBB2_47-.Ltmp34, $1  }
0x399: {  	_ =	sdelay $0x3  }
0x39a: {  	p1 =	slt.s32 s1, $0x1  }
.Ltmp35:
0x39b: {  	_ = 	snop;
	(pc) =	sbr.rel @p1 .LBB2_45-.Ltmp35, $1  }
0x39c: {  	_ =	sdelay $0x3  }
0x39d: {  	s5 =	simm.s32 $0x3658;
	p1 =	por $0x0, $0x0  }
0x39e: {  	v1 =	vld.msk @!p1 [tilespmem:s5+$0x0], $0x1;
	_ =	sdelay $0x4  }
0x39f: {  	(v2sf) =	vpush @!p1 v1, $0x0;
	_ =	sdelay $0xd  }
0x3a0: {  	p3 =	sne.s32 s1, $0x1  }
.Ltmp36:
0x3a1: {  	s0 =	spop @!p1 (v2sf);
	(pc) =	sbr.rel @!p3 .LBB2_44-.Ltmp36, $4  }
0x3a2: {  	p2 =	seq.s32 @!p1 s4, s0  }
0x3a3: {  	s6 =	simm.s32 $0x0;
	p2 =	por !p2, p1  }
0x3a4: {  	s0 =	simm.s32 $0xFFFFFFFF;
	s6 =	simm.s32 @p2 $0xFFFFFFFF  }
0x3a5: {  	s7 =	simm.s32 $0x1;
	s6 =	smov.u32 @p1 s0  }
.LBB2_43:
0x3a6: {  	s0 =	smov.u32 s6;
	p1 =	sne.s32 s6, $0xFFFFFFFF  }
0x3a7: {  	s5 =	sadd.s32 $0x1, s5;
	s6 =	smov.u32 s7;
	s7 =	sadd.s32 $0x1, s7  }
0x3a8: {  	p2 =	sne.s32 s1, s7;
	v1 =	vld.msk @!p1 [tilespmem:s5+$0x0], $0x1;
	_ =	sdelay $0x4  }
0x3a9: {  	(v2sf) =	vpush @!p1 v1, $0x0;
	_ =	sdelay $0xe  }
.Ltmp37:
0x3aa: {  	s8 =	spop @!p1 (v2sf);
	(pc) =	sbr.rel @p2 .LBB2_43-.Ltmp37, $4  }
0x3ab: {  	p3 =	seq.s32 @!p1 s4, s8  }
0x3ac: {  	p3 =	por !p3, p1  }
0x3ad: {  	s6 =	simm.s32 @p3 $0xFFFFFFFF  }
0x3ae: {  	s6 =	smov.u32 @p1 s0  }
.LBB2_44:
0x3af: {  	p1 =	sne.s32 s6, $0xFFFFFFFF  }
.Ltmp38:
0x3b0: {  	_ = 	snop;
	(pc) =	sbr.rel @!p1 .LBB2_45-.Ltmp38, $1  }
0x3b1: {  	_ =	sdelay $0x3  }
0x3b2: {  	s0 =	sshll.u32 s2, $0x4  }
0x3b3: {  	s4 =	sshll.u32 s6, $0x6;
	s0 =	sand.u32 $0x3FFFFFF0, s0  }
0x3b4: {  	s31 =	sshra.s32 s4, $0x2;
	v0 =	vld [tilespmem:s0+$0x3678]  }
0x3b5: {  	v1 =	vld [tilespmem:s31+$0x3678];
	_ =	sdelay $0x1  }
.Ltmp39:
0x3b6: {  	_ = 	snop;
	(pc) =	sbr.rel .LBB2_47-.Ltmp39, $3  }
0x3b7: {  	_ =	sdelay $0x1  }
0x3b8: {  	v0 =	vmax.f32 v0, v1  }
0x3b9: {  	[tilespmem:s31+$0x3678] =	vst v0  }
.LBB2_48:
0x3ba: {  	p1 =	slt.s32 s1, $0x1  }
.Ltmp40:
0x3bb: {  	_ = 	snop;
	(pc) =	sbr.rel @p1 .LBB2_52-.Ltmp40, $3  }
0x3bc: {  	_ =	sdelay $0x1  }
0x3bd: {  	s0 =	simm.s32 $0x8  }
0x3be: {  	s2 =	simm.s32 $0x0;
	[sflag:s0] =	ssyncpa.u1 $0x1  }
0x3bf: {  	s0 =	simm.s32 $0x3658  }
0x3c0: {  	v0 =	vld.msk [tilespmem:s0+$0x0], $0x1;
	_ =	sdelay $0x4  }
0x3c1: {  	(v2sf) =	vpush v0, $0x0;
	_ =	sdelay $0xe  }
0x3c2: {  	s1 =	sadd.s32 $0xFFFFFFFF, s1;
	s0 =	spop (v2sf)  }
0x3c3: {  	p2 =	sne.s32 s1, $0x0;
	p1 =	sgt.u32 s0, $0x1FFF  }
.Ltmp41:
0x3c4: {  	s5 =	sand.u32 @!p1 $0x1FF8, s0;
	(pc) =	sbr.rel @!p2 .LBB2_51-.Ltmp41, $4  }
0x3c5: {  	s4 =	simm.s32 $0x3678;
	s0 =	sand.u32 @!p1 $0x7, s0;
	s5 =	sadd.s32 @!p1 s3, s5  }
0x3c6: {  	[hbm4b:s5+s0] =	stream.linear.scatter @!p1 [tilespmem:s4], [sflag:$0x7], $0x4, $0x38;
	[tilespmem:$0x1F0F8] =	vst v63  }
0x3c7: {  	s0 =	simm.s32 $0x0  }
0x3c8: {  	s5 =	simm.s32 $0x3659;
	s0 =	simm.s32 @!p1 $0x10  }
.LBB2_50:
0x3c9: {  	v0 =	vld.msk [tilespmem:s5+$0x0], $0x1;
	s1 =	sadd.s32 $0xFFFFFFFF, s1;
	s2 =	sadd.s32 s2, s0  }
0x3ca: {  	p1 =	sne.s32 s1, $0x0;
	_ =	sdelay $0x3  }
0x3cb: {  	(v2sf) =	vpush v0, $0x0;
	_ =	sdelay $0xe  }
.Ltmp42:
0x3cc: {  	s6 =	spop (v2sf);
	(pc) =	sbr.rel @p1 .LBB2_50-.Ltmp42, $4  }
0x3cd: {  	s0 =	simm.s32 $0x0;
	p2 =	sgt.u32 s6, $0x1FFF  }
0x3ce: {  	s4 =	sadd.s32 $0x10, s4;
	s0 =	simm.s32 @!p2 $0x10;
	s7 =	sand.u32 @!p2 $0x1FF8, s6  }
0x3cf: {  	s5 =	sadd.s32 $0x1, s5;
	s6 =	sand.u32 @!p2 $0x7, s6;
	s7 =	sadd.s32 @!p2 s3, s7  }
0x3d0: {  	[hbm4b:s7+s6] =	stream.linear.scatter @!p2 [tilespmem:s4], [sflag:$0x7], $0x4, $0x38;
	[tilespmem:$0x1F0F8] =	vst v63  }
.LBB2_51:
0x3d1: {  	s0 =	sadd.s32 s2, s0  }
0x3d2: {  	s2 =	sshrl.u32 s0, $0x2  }
.LBB2_52:
0x3d3: {  	s0 =	simm.s32 $0x7  }
0x3d4: {  	_ =	swait.ge [sflag:s0], s2  }
0x3d5: {  	s1 =	ssub.s32 $0x0, s2;
	[sflag:s0] =	ssyncset.done $0x0  }
0x3d6: {  	[sflag:s0] =	ssyncadd.s32 s1  }
0x3d7: {  	[sflag:s0] =	ssyncpa.u1 $0x1  }
.LBB2_53:
0x3d8: {  	_ =	sfence;
	s0 =	simm.s32 $0x1  }
0x3d9: {  	[sflag:s0] =	ssyncpa.u1 $0x1  }
0x3da: {  	_ =	strace $0x90000047  }
0x3db: {  	[bflag:$0x2] =	sbarrier.arrive $0xFFFF  }
0x3dc: {  	s0 =	rddreg [dreg:$0x3]  }
0x3dd: {  	s0 =	sadd.s32 @!p0 $0x100000, s0  }
0x3de: {  	[sflag:s0] =	ssyncadd.tile.s32 @!p0 $0x1;
	_ =	shalt  }
.Lfunc_end2:
_tile_overlayer_lowered:
.L_overlay_start_2:
0x3df: {  	(tag) =	ssettag $0x2  }
0x3e0: {  	s0 =	rddreg [dreg:$0x0];
	s2 =	stileid.u32  }
0x3e1: {  	s1 =	rddreg [dreg:$0x1];
	p0 =	sne.s32 s2, $0x0  }
0x3e2: {  	s3 =	rddreg [dreg:$0x2];
	[bflag:$0x3] =	sbarrier.arrive $0xFFFF;
	s2 =	simm.s32 @!p0 $0x1C01  }
0x3e3: {  	[timem:s3], [sflag:s2] =	dma.local @!p0 [hbm:s0], s1  }
0x3e4: {  	s0 =	simm.s32 @!p0 $0x1  }
0x3e5: {  	_ =	swait.ge @!p0 [sflag:s0], s1  }
0x3e6: {  	s1 =	ssub.s32 @!p0 $0x0, s1;
	[sflag:s0] =	ssyncset.done @!p0 $0x0  }
0x3e7: {  	[sflag:s0] =	ssyncadd.s32 @!p0 s1  }
0x3e8: {  	[bflag:$0x3] =	sbarrier.arrive $0xFFFF  }
0x3e9: {  	_ =	shalt  }

</sc_bundles>
